<compile_context>
chip_gen: v7x
topology: tpu7x:2x2x1
jax: 0.10.2.dev20260603
libtpu: 0.0.44.dev20260713+nightly
codegen_flags: <defaults>
</compile_context>

<pallas_src>
import functools

import jax
import jax.numpy as jnp
from jax import lax
from jax.experimental import pallas as pl
from jax.experimental.pallas import tpu as pltpu
from jax.experimental.pallas import tpu_sc as plsc

N = 10000
E = 320000
DIM = 128
EPS = 1e-5

NC = 2
NS = 16
CH = 128
CPT = 160
NCHUNK = NS * CPT
E_PAD = NCHUNK * CH
HF = DIM // 2
D_AUG = HF + 16
NPAD = N + 112
ROWS_PT = NPAD // NS


def _sc_aggregate(x2, src2d, dst2d):
    mesh = plsc.VectorSubcoreMesh(core_axis_name="c", subcore_axis_name="s")

    @functools.partial(
        pl.kernel,
        out_type=jax.ShapeDtypeStruct((NC, NPAD, D_AUG), jnp.float32),
        mesh=mesh,
        scratch_types=[
            pltpu.VMEM((CPT, CH), jnp.int32),
            pltpu.VMEM((CPT, CH), jnp.int32),
            pltpu.VMEM((2, CH, D_AUG), jnp.float32),
            pltpu.VMEM_SHARED((NPAD, D_AUG), jnp.float32),
            pltpu.SemaphoreType.DMA,
            pltpu.SemaphoreType.DMA,
        ],
        compiler_params=pltpu.CompilerParams(use_tc_tiling_on_sc=False),
    )
    def body(x_hbm, src_hbm, dst_hbm, agg_out, src_v, dst_v, rows_v, agg_sp,
             sem0, sem1):
        c = lax.axis_index("c")
        s = lax.axis_index("s")
        sems = (sem0, sem1)
        zero16 = jnp.zeros((16,), jnp.float32)
        table = x_hbm.at[c]

        @pl.loop(0, CH)
        def _(i):
            for j in range(D_AUG // 16):
                rows_v[0, i, pl.ds(j * 16, 16)] = zero16

        row0 = s * ROWS_PT
        for k in range(4):
            pltpu.sync_copy(rows_v.at[0, pl.ds(0, CH)],
                            agg_sp.at[pl.ds(row0 + k * CH, CH)])
        rem = ROWS_PT - 4 * CH
        pltpu.sync_copy(rows_v.at[0, pl.ds(0, rem)],
                        agg_sp.at[pl.ds(row0 + 4 * CH, rem)])
        plsc.subcore_barrier()

        base = s * CPT
        pltpu.sync_copy(src_hbm.at[pl.ds(base, CPT)], src_v)
        pltpu.sync_copy(dst_hbm.at[pl.ds(base, CPT)], dst_v)

        def start(j, b):
            pltpu.async_copy(table.at[src_v.at[j]], rows_v.at[b], sems[b])

        def wait(j, b):
            pltpu.make_async_copy(table.at[src_v.at[j]], rows_v.at[b],
                                  sems[b]).wait()

        def scatter(j, b):
            pltpu.sync_copy(rows_v.at[b], agg_sp.at[dst_v.at[j]], add=True)

        start(0, 0)
        start(1, 1)

        @pl.loop(0, CPT // 2 - 1)
        def _(i):
            for b in range(2):
                j = 2 * i + b
                wait(j, b)
                start(j + 2, b)
                scatter(j, b)

        for b in range(2):
            j = CPT - 2 + b
            wait(j, b)
            scatter(j, b)

        plsc.subcore_barrier()
        pltpu.sync_copy(agg_sp.at[pl.ds(row0, ROWS_PT)],
                        agg_out.at[c, pl.ds(row0, ROWS_PT)])

    return body(x2, src2d, dst2d)


def _tc_body(x_ref, agg_ref, wl_ref, bl_ref, wr_ref, w2_ref, b2_ref, ms2_ref,
             out_ref):
    x = x_ref[...]
    cnt = agg_ref[0, :N, HF:HF + 1]
    inv = 1.0 / jnp.maximum(cnt, 1.0)
    lo = agg_ref[0, :N, :HF] * inv
    hi = agg_ref[1, :N, :HF] * inv
    wl = wl_ref[...]
    h = (x
         + jnp.dot(lo, wl[:HF, :], preferred_element_type=jnp.float32)
         + jnp.dot(hi, wl[HF:, :], preferred_element_type=jnp.float32)
         + bl_ref[...]
         + jnp.dot(x, wr_ref[...], preferred_element_type=jnp.float32))
    h = jnp.maximum(h, 0.0)
    n = jnp.float32(N)
    s1 = jnp.sum(h, axis=0, keepdims=True)
    s2 = jnp.sum(h * h, axis=0, keepdims=True)
    mean = s1 / n
    ms = ms2_ref[...]
    var = s2 / n + (ms * ms - 2.0 * ms) * mean * mean
    hc = h - ms * mean
    out_ref[...] = w2_ref[...] * (hc * lax.rsqrt(var + EPS)) + b2_ref[...]


def _tc_finish(x, agg_parts, wl, bl, wr, w2, b2, ms2):
    return pl.pallas_call(
        _tc_body,
        out_shape=jax.ShapeDtypeStruct((N, DIM), jnp.float32),
    )(x, agg_parts, wl, bl, wr, w2, b2, ms2)


def kernel(x, edge_index, lin_l_w, lin_l_b, lin_r_w, norm1_w, norm1_b,
           norm1_ms, norm2_w, norm2_b, norm2_ms):
    ones = jnp.ones((N, 16), jnp.float32)
    x2 = jnp.stack([
        jnp.concatenate([x[:, :HF], ones], axis=1),
        jnp.concatenate([x[:, HF:], ones], axis=1),
    ])
    src = edge_index[0]
    dst = edge_index[1]
    pad = E_PAD - E
    src_p = jnp.concatenate([src, jnp.zeros((pad,), jnp.int32)]
                            ).reshape(NCHUNK, CH)
    dst_p = jnp.concatenate([dst, jnp.full((pad,), N, jnp.int32)]
                            ).reshape(NCHUNK, CH)
    agg_parts = _sc_aggregate(x2, src_p, dst_p)
    return _tc_finish(
        x, agg_parts,
        lin_l_w.T, lin_l_b.reshape(1, DIM), lin_r_w.T,
        norm2_w.reshape(1, DIM), norm2_b.reshape(1, DIM),
        norm2_ms.reshape(1, DIM),
    )

# --- scband reference (transcript-rebuilt; emitter-appended) ---
"""Pipeline reference for scband-residual-block-33492154974605 (READ-ONLY COPY).

The authoritative reference and input builder live on the scoring server;
editing this copy changes nothing except your own understanding.
"""

import jax, jax.numpy as jnp
import numpy as np

N = 10000
E = 320000
DIM = 128
EPS = 1e-5


def setup_inputs(seed: int = 0) -> dict:
    key = jax.random.key(seed)
    ks = jax.random.split(key, 6)
    x = jax.random.normal(ks[0], (N, DIM), dtype=jnp.float32)
    edge_index = jax.random.randint(ks[1], (2, E), 0, N, dtype=jnp.int32)
    s = 1.0 / np.sqrt(DIM)
    lin_l_w = jax.random.uniform(ks[2], (DIM, DIM), jnp.float32, -s, s)
    lin_l_b = jax.random.uniform(ks[3], (DIM,), jnp.float32, -s, s)
    lin_r_w = jax.random.uniform(ks[4], (DIM, DIM), jnp.float32, -s, s)
    norm1_w = jnp.ones((DIM,), jnp.float32)
    norm1_b = jnp.zeros((DIM,), jnp.float32)
    norm1_ms = jnp.ones((DIM,), jnp.float32)
    norm2_w = jnp.ones((DIM,), jnp.float32)
    norm2_b = jnp.zeros((DIM,), jnp.float32)
    norm2_ms = jnp.ones((DIM,), jnp.float32)
    return {
        "x": x,
        "edge_index": edge_index,
        "lin_l_w": lin_l_w,
        "lin_l_b": lin_l_b,
        "lin_r_w": lin_r_w,
        "norm1_w": norm1_w,
        "norm1_b": norm1_b,
        "norm1_ms": norm1_ms,
        "norm2_w": norm2_w,
        "norm2_b": norm2_b,
        "norm2_ms": norm2_ms,
    }


def _graph_norm(h, w, b, ms):
    # PyG GraphNorm with a single graph: per-feature mean over all nodes
    mean = jnp.mean(h, axis=0, keepdims=True)
    out = h - ms[None, :] * mean
    var = jnp.mean(out * out, axis=0, keepdims=True)
    out = out / jnp.sqrt(var + EPS)
    return w[None, :] * out + b[None, :]


def _sage_conv_mean(x, edge_index, lin_l_w, lin_l_b, lin_r_w):
    src = edge_index[0]
    dst = edge_index[1]
    msgs = jnp.take(x, src, axis=0)
    agg = jax.ops.segment_sum(msgs, dst, num_segments=N)
    cnt = jax.ops.segment_sum(jnp.ones((E,), jnp.float32), dst, num_segments=N)
    agg = agg / jnp.clip(cnt, 1.0, None)[:, None]
    return agg @ lin_l_w.T + lin_l_b[None, :] + x @ lin_r_w.T


def reference(x, edge_index, lin_l_w, lin_l_b, lin_r_w, norm1_w, norm1_b, norm1_ms, norm2_w, norm2_b, norm2_ms):
    # Faithful to original forward: norm1 output is computed but discarded
    _h_unused = _graph_norm(x, norm1_w, norm1_b, norm1_ms)
    h = _sage_conv_mean(x, edge_index, lin_l_w, lin_l_b, lin_r_w)
    h = x + h
    h = jax.nn.relu(h)
    h = _graph_norm(h, norm2_w, norm2_b, norm2_ms)
    # dropout is identity in eval mode
    return h

if __name__ == "__main__":
    import jax
    _d = setup_inputs()
    print(jax.jit(kernel)(*tuple(_d.values())))

</pallas_src>

<mosaic_0001>
#map = affine_map<(d0, d1) -> (0, 0, 0)>
#map1 = affine_map<(d0, d1) -> (0, 0)>
module attributes {stable_mosaic.version = 14 : i64} {
  func.func @body(%arg0: i32, %arg1: i32, %arg2: memref<2x10000x80xf32, #tpu.memory_space<hbm>>, %arg3: memref<2560x128xi32, #tpu.memory_space<hbm>>, %arg4: memref<2560x128xi32, #tpu.memory_space<hbm>>, %arg5: memref<2x10112x80xf32, #tpu.memory_space<hbm>>, %arg6: memref<160x128xi32, #tpu.memory_space<vmem>>, %arg7: memref<160x128xi32, #tpu.memory_space<vmem>>, %arg8: memref<2x128x80xf32, #tpu.memory_space<vmem>>, %arg9: memref<10112x80xf32, #tpu.memory_space<vmem_shared>>, %arg10: memref<!tpu.dma_semaphore, #tpu.memory_space<semaphore_mem>>, %arg11: memref<!tpu.dma_semaphore, #tpu.memory_space<semaphore_mem>>) attributes {dimension_semantics = [#tpu.dimension_semantics<core_parallel>, #tpu.dimension_semantics<subcore_parallel>], iteration_bounds = array<i64: 2, 16>, scalar_prefetch = 0 : i64, scratch_operands = 6 : i64, tpu.core_type = #tpu.core_type<sc_vector_subcore>, window_params = [{transform_indices = #map}, {transform_indices = #map1}, {transform_indices = #map1}, {transform_indices = #map}]} {
    %broadcast_in_dim3A = arith.constant 0.000000e+00 : f32
    %broadcast_in_dim3A_0 = vector.broadcast %broadcast_in_dim3A : f32 to vector<16xf32>
    %scan3A = arith.constant 0 : i32
    %scan3A_1 = arith.constant 128 : i32
    %scan3A_2 = arith.addi %scan3A, %scan3A_1 : i32
    %scan3A_3 = arith.constant 1 : i32
    scf.for %scan3A_93 = %scan3A to %scan3A_2 step %scan3A_3  : i32 {
      %mul3A_94 = arith.constant 1 : i32
      %mul3A_95 = arith.muli %scan3A_93, %mul3A_94 : i32
      %add3A_96 = arith.constant 0 : i32
      %add3A_97 = arith.addi %add3A_96, %mul3A_95 : i32
      %swap3A = arith.constant 0 : i32
      %swap3A_98 = arith.index_cast %swap3A : i32 to index
      %swap3A_99 = arith.index_cast %add3A_97 : i32 to index
      %swap3A_100 = arith.constant 0 : index
      %swap3A_101 = tpu.vector_load %arg8[%swap3A_98, %swap3A_99, %swap3A_100] {strides = array<i32>} : memref<2x128x80xf32, #tpu.memory_space<vmem>>, vector<1x1x16xf32>,
      %swap3A_102 = vector.shape_cast %swap3A_101 : vector<1x1x16xf32> to vector<16xf32>
      %swap3A_103 = vector.shape_cast %broadcast_in_dim3A_0 : vector<16xf32> to vector<1x1x16xf32>
      tpu.vector_store %arg8[%swap3A_98, %swap3A_99, %swap3A_100], %swap3A_103 {strides = array<i32>} : memref<2x128x80xf32, #tpu.memory_space<vmem>>, vector<1x1x16xf32>,
      %swap3A_104 = arith.constant 0 : i32
      %swap3A_105 = arith.index_cast %swap3A_104 : i32 to index
      %swap3A_106 = arith.index_cast %add3A_97 : i32 to index
      %swap3A_107 = arith.constant 16 : index
      %swap3A_108 = tpu.vector_load %arg8[%swap3A_105, %swap3A_106, %swap3A_107] {strides = array<i32>} : memref<2x128x80xf32, #tpu.memory_space<vmem>>, vector<1x1x16xf32>,
      %swap3A_109 = vector.shape_cast %swap3A_108 : vector<1x1x16xf32> to vector<16xf32>
      %swap3A_110 = vector.shape_cast %broadcast_in_dim3A_0 : vector<16xf32> to vector<1x1x16xf32>
      tpu.vector_store %arg8[%swap3A_105, %swap3A_106, %swap3A_107], %swap3A_110 {strides = array<i32>} : memref<2x128x80xf32, #tpu.memory_space<vmem>>, vector<1x1x16xf32>,
      %swap3A_111 = arith.constant 0 : i32
      %swap3A_112 = arith.index_cast %swap3A_111 : i32 to index
      %swap3A_113 = arith.index_cast %add3A_97 : i32 to index
      %swap3A_114 = arith.constant 32 : index
      %swap3A_115 = tpu.vector_load %arg8[%swap3A_112, %swap3A_113, %swap3A_114] {strides = array<i32>} : memref<2x128x80xf32, #tpu.memory_space<vmem>>, vector<1x1x16xf32>,
      %swap3A_116 = vector.shape_cast %swap3A_115 : vector<1x1x16xf32> to vector<16xf32>
      %swap3A_117 = vector.shape_cast %broadcast_in_dim3A_0 : vector<16xf32> to vector<1x1x16xf32>
      tpu.vector_store %arg8[%swap3A_112, %swap3A_113, %swap3A_114], %swap3A_117 {strides = array<i32>} : memref<2x128x80xf32, #tpu.memory_space<vmem>>, vector<1x1x16xf32>,
      %swap3A_118 = arith.constant 0 : i32
      %swap3A_119 = arith.index_cast %swap3A_118 : i32 to index
      %swap3A_120 = arith.index_cast %add3A_97 : i32 to index
      %swap3A_121 = arith.constant 48 : index
      %swap3A_122 = tpu.vector_load %arg8[%swap3A_119, %swap3A_120, %swap3A_121] {strides = array<i32>} : memref<2x128x80xf32, #tpu.memory_space<vmem>>, vector<1x1x16xf32>,
      %swap3A_123 = vector.shape_cast %swap3A_122 : vector<1x1x16xf32> to vector<16xf32>
      %swap3A_124 = vector.shape_cast %broadcast_in_dim3A_0 : vector<16xf32> to vector<1x1x16xf32>
      tpu.vector_store %arg8[%swap3A_119, %swap3A_120, %swap3A_121], %swap3A_124 {strides = array<i32>} : memref<2x128x80xf32, #tpu.memory_space<vmem>>, vector<1x1x16xf32>,
      %swap3A_125 = arith.constant 0 : i32
      %swap3A_126 = arith.index_cast %swap3A_125 : i32 to index
      %swap3A_127 = arith.index_cast %add3A_97 : i32 to index
      %swap3A_128 = arith.constant 64 : index
      %swap3A_129 = tpu.vector_load %arg8[%swap3A_126, %swap3A_127, %swap3A_128] {strides = array<i32>} : memref<2x128x80xf32, #tpu.memory_space<vmem>>, vector<1x1x16xf32>,
      %swap3A_130 = vector.shape_cast %swap3A_129 : vector<1x1x16xf32> to vector<16xf32>
      %swap3A_131 = vector.shape_cast %broadcast_in_dim3A_0 : vector<16xf32> to vector<1x1x16xf32>
      tpu.vector_store %arg8[%swap3A_126, %swap3A_127, %swap3A_128], %swap3A_131 {strides = array<i32>} : memref<2x128x80xf32, #tpu.memory_space<vmem>>, vector<1x1x16xf32>,
    }
    %scan3A_4 = arith.constant 128 : i32
    %mul3A = arith.constant 632 : i32
    %mul3A_5 = arith.muli %arg1, %mul3A : i32
    %add3A = arith.constant 0 : i32
    %add3A_6 = arith.addi %mul3A_5, %add3A : i32
    %run_scoped3A = arith.constant 0 : i32
    "tpu.region"() ({
      %run_scoped3A_93 = tpu.sem_alloc : memref<!tpu.dma_semaphore, #tpu.memory_space<semaphore_mem>>
      %dma_start3A_94 = arith.constant 0 : i32
      %dma_start3A_95 = arith.constant 0 : i32
      %dma_start3A_96 = tpu.memref_slice %arg8[%run_scoped3A, %dma_start3A_94, %dma_start3A_95] : memref<2x128x80xf32, #tpu.memory_space<vmem>> -> memref<1x128x80xf32, #tpu.memory_space<vmem>>
      %dma_start3A_97 = tpu.memref_squeeze %dma_start3A_96 : memref<1x128x80xf32, #tpu.memory_space<vmem>> -> memref<128x80xf32, #tpu.memory_space<vmem>>
      %dma_start3A_98 = arith.constant 0 : i32
      %dma_start3A_99 = tpu.memref_slice %arg9[%add3A_6, %dma_start3A_98] : memref<10112x80xf32, #tpu.memory_space<vmem_shared>> -> memref<128x80xf32, #tpu.memory_space<vmem_shared>>
      %dma_start3A_100 = arith.constant 0 : i32
      %dma_start3A_101 = tpu.memref_slice %arg9[%add3A_6, %dma_start3A_100] : memref<10112x80xf32, #tpu.memory_space<vmem_shared>> -> memref<128x80xf32, #tpu.memory_space<vmem_shared>>
      %dma_start3A_102 = arith.constant 0 : i32
      %dma_start3A_103 = arith.constant 0 : i32
      %dma_start3A_104 = tpu.memref_slice %arg8[%run_scoped3A, %dma_start3A_102, %dma_start3A_103] : memref<2x128x80xf32, #tpu.memory_space<vmem>> -> memref<1x128x80xf32, #tpu.memory_space<vmem>>
      %dma_start3A_105 = tpu.memref_squeeze %dma_start3A_104 : memref<1x128x80xf32, #tpu.memory_space<vmem>> -> memref<128x80xf32, #tpu.memory_space<vmem>>
      tpu.enqueue_dma source(%dma_start3A_105 : memref<128x80xf32, #tpu.memory_space<vmem>>) target(%dma_start3A_101 : memref<128x80xf32, #tpu.memory_space<vmem_shared>>) target_semaphore(%run_scoped3A_93 : memref<!tpu.dma_semaphore, #tpu.memory_space<semaphore_mem>>)
      %dma_wait3A_106 = arith.constant 0 : i32
      %dma_wait3A_107 = arith.constant 0 : i32
      %dma_wait3A_108 = tpu.memref_slice %arg8[%run_scoped3A, %dma_wait3A_106, %dma_wait3A_107] : memref<2x128x80xf32, #tpu.memory_space<vmem>> -> memref<1x128x80xf32, #tpu.memory_space<vmem>>
      %dma_wait3A_109 = tpu.memref_squeeze %dma_wait3A_108 : memref<1x128x80xf32, #tpu.memory_space<vmem>> -> memref<128x80xf32, #tpu.memory_space<vmem>>
      %dma_wait3A_110 = arith.constant 0 : i32
      %dma_wait3A_111 = tpu.memref_slice %arg9[%add3A_6, %dma_wait3A_110] : memref<10112x80xf32, #tpu.memory_space<vmem_shared>> -> memref<128x80xf32, #tpu.memory_space<vmem_shared>>
      %dma_wait3A_112 = arith.constant 0 : i32
      %dma_wait3A_113 = tpu.memref_slice %arg9[%add3A_6, %dma_wait3A_112] : memref<10112x80xf32, #tpu.memory_space<vmem_shared>> -> memref<128x80xf32, #tpu.memory_space<vmem_shared>>
      %dma_wait3A_114 = arith.constant 0 : i32
      %dma_wait3A_115 = arith.constant 0 : i32
      %dma_wait3A_116 = tpu.memref_slice %arg8[%run_scoped3A, %dma_wait3A_114, %dma_wait3A_115] : memref<2x128x80xf32, #tpu.memory_space<vmem>> -> memref<1x128x80xf32, #tpu.memory_space<vmem>>
      %dma_wait3A_117 = tpu.memref_squeeze %dma_wait3A_116 : memref<1x128x80xf32, #tpu.memory_space<vmem>> -> memref<128x80xf32, #tpu.memory_space<vmem>>
      tpu.wait_dma2 semaphore(%run_scoped3A_93 : memref<!tpu.dma_semaphore, #tpu.memory_space<semaphore_mem>>) src(%dma_wait3A_117 : memref<128x80xf32, #tpu.memory_space<vmem>>) dst(%dma_wait3A_113 : memref<128x80xf32, #tpu.memory_space<vmem_shared>>)
      tpu.yield
    }) : () -> ()
    %add3A_7 = arith.constant 128 : i32
    %add3A_8 = arith.addi %mul3A_5, %add3A_7 : i32
    %run_scoped3A_9 = arith.constant 0 : i32
    "tpu.region"() ({
      %run_scoped3A_93 = tpu.sem_alloc : memref<!tpu.dma_semaphore, #tpu.memory_space<semaphore_mem>>
      %dma_start3A_94 = arith.constant 0 : i32
      %dma_start3A_95 = arith.constant 0 : i32
      %dma_start3A_96 = tpu.memref_slice %arg8[%run_scoped3A_9, %dma_start3A_94, %dma_start3A_95] : memref<2x128x80xf32, #tpu.memory_space<vmem>> -> memref<1x128x80xf32, #tpu.memory_space<vmem>>
      %dma_start3A_97 = tpu.memref_squeeze %dma_start3A_96 : memref<1x128x80xf32, #tpu.memory_space<vmem>> -> memref<128x80xf32, #tpu.memory_space<vmem>>
      %dma_start3A_98 = arith.constant 0 : i32
      %dma_start3A_99 = tpu.memref_slice %arg9[%add3A_8, %dma_start3A_98] : memref<10112x80xf32, #tpu.memory_space<vmem_shared>> -> memref<128x80xf32, #tpu.memory_space<vmem_shared>>
      %dma_start3A_100 = arith.constant 0 : i32
      %dma_start3A_101 = tpu.memref_slice %arg9[%add3A_8, %dma_start3A_100] : memref<10112x80xf32, #tpu.memory_space<vmem_shared>> -> memref<128x80xf32, #tpu.memory_space<vmem_shared>>
      %dma_start3A_102 = arith.constant 0 : i32
      %dma_start3A_103 = arith.constant 0 : i32
      %dma_start3A_104 = tpu.memref_slice %arg8[%run_scoped3A_9, %dma_start3A_102, %dma_start3A_103] : memref<2x128x80xf32, #tpu.memory_space<vmem>> -> memref<1x128x80xf32, #tpu.memory_space<vmem>>
      %dma_start3A_105 = tpu.memref_squeeze %dma_start3A_104 : memref<1x128x80xf32, #tpu.memory_space<vmem>> -> memref<128x80xf32, #tpu.memory_space<vmem>>
      tpu.enqueue_dma source(%dma_start3A_105 : memref<128x80xf32, #tpu.memory_space<vmem>>) target(%dma_start3A_101 : memref<128x80xf32, #tpu.memory_space<vmem_shared>>) target_semaphore(%run_scoped3A_93 : memref<!tpu.dma_semaphore, #tpu.memory_space<semaphore_mem>>)
      %dma_wait3A_106 = arith.constant 0 : i32
      %dma_wait3A_107 = arith.constant 0 : i32
      %dma_wait3A_108 = tpu.memref_slice %arg8[%run_scoped3A_9, %dma_wait3A_106, %dma_wait3A_107] : memref<2x128x80xf32, #tpu.memory_space<vmem>> -> memref<1x128x80xf32, #tpu.memory_space<vmem>>
      %dma_wait3A_109 = tpu.memref_squeeze %dma_wait3A_108 : memref<1x128x80xf32, #tpu.memory_space<vmem>> -> memref<128x80xf32, #tpu.memory_space<vmem>>
      %dma_wait3A_110 = arith.constant 0 : i32
      %dma_wait3A_111 = tpu.memref_slice %arg9[%add3A_8, %dma_wait3A_110] : memref<10112x80xf32, #tpu.memory_space<vmem_shared>> -> memref<128x80xf32, #tpu.memory_space<vmem_shared>>
      %dma_wait3A_112 = arith.constant 0 : i32
      %dma_wait3A_113 = tpu.memref_slice %arg9[%add3A_8, %dma_wait3A_112] : memref<10112x80xf32, #tpu.memory_space<vmem_shared>> -> memref<128x80xf32, #tpu.memory_space<vmem_shared>>
      %dma_wait3A_114 = arith.constant 0 : i32
      %dma_wait3A_115 = arith.constant 0 : i32
      %dma_wait3A_116 = tpu.memref_slice %arg8[%run_scoped3A_9, %dma_wait3A_114, %dma_wait3A_115] : memref<2x128x80xf32, #tpu.memory_space<vmem>> -> memref<1x128x80xf32, #tpu.memory_space<vmem>>
      %dma_wait3A_117 = tpu.memref_squeeze %dma_wait3A_116 : memref<1x128x80xf32, #tpu.memory_space<vmem>> -> memref<128x80xf32, #tpu.memory_space<vmem>>
      tpu.wait_dma2 semaphore(%run_scoped3A_93 : memref<!tpu.dma_semaphore, #tpu.memory_space<semaphore_mem>>) src(%dma_wait3A_117 : memref<128x80xf32, #tpu.memory_space<vmem>>) dst(%dma_wait3A_113 : memref<128x80xf32, #tpu.memory_space<vmem_shared>>)
      tpu.yield
    }) : () -> ()
    %add3A_10 = arith.constant 256 : i32
    %add3A_11 = arith.addi %mul3A_5, %add3A_10 : i32
    %run_scoped3A_12 = arith.constant 0 : i32
    "tpu.region"() ({
      %run_scoped3A_93 = tpu.sem_alloc : memref<!tpu.dma_semaphore, #tpu.memory_space<semaphore_mem>>
      %dma_start3A_94 = arith.constant 0 : i32
      %dma_start3A_95 = arith.constant 0 : i32
      %dma_start3A_96 = tpu.memref_slice %arg8[%run_scoped3A_12, %dma_start3A_94, %dma_start3A_95] : memref<2x128x80xf32, #tpu.memory_space<vmem>> -> memref<1x128x80xf32, #tpu.memory_space<vmem>>
      %dma_start3A_97 = tpu.memref_squeeze %dma_start3A_96 : memref<1x128x80xf32, #tpu.memory_space<vmem>> -> memref<128x80xf32, #tpu.memory_space<vmem>>
      %dma_start3A_98 = arith.constant 0 : i32
      %dma_start3A_99 = tpu.memref_slice %arg9[%add3A_11, %dma_start3A_98] : memref<10112x80xf32, #tpu.memory_space<vmem_shared>> -> memref<128x80xf32, #tpu.memory_space<vmem_shared>>
      %dma_start3A_100 = arith.constant 0 : i32
      %dma_start3A_101 = tpu.memref_slice %arg9[%add3A_11, %dma_start3A_100] : memref<10112x80xf32, #tpu.memory_space<vmem_shared>> -> memref<128x80xf32, #tpu.memory_space<vmem_shared>>
      %dma_start3A_102 = arith.constant 0 : i32
      %dma_start3A_103 = arith.constant 0 : i32
      %dma_start3A_104 = tpu.memref_slice %arg8[%run_scoped3A_12, %dma_start3A_102, %dma_start3A_103] : memref<2x128x80xf32, #tpu.memory_space<vmem>> -> memref<1x128x80xf32, #tpu.memory_space<vmem>>
      %dma_start3A_105 = tpu.memref_squeeze %dma_start3A_104 : memref<1x128x80xf32, #tpu.memory_space<vmem>> -> memref<128x80xf32, #tpu.memory_space<vmem>>
      tpu.enqueue_dma source(%dma_start3A_105 : memref<128x80xf32, #tpu.memory_space<vmem>>) target(%dma_start3A_101 : memref<128x80xf32, #tpu.memory_space<vmem_shared>>) target_semaphore(%run_scoped3A_93 : memref<!tpu.dma_semaphore, #tpu.memory_space<semaphore_mem>>)
      %dma_wait3A_106 = arith.constant 0 : i32
      %dma_wait3A_107 = arith.constant 0 : i32
      %dma_wait3A_108 = tpu.memref_slice %arg8[%run_scoped3A_12, %dma_wait3A_106, %dma_wait3A_107] : memref<2x128x80xf32, #tpu.memory_space<vmem>> -> memref<1x128x80xf32, #tpu.memory_space<vmem>>
      %dma_wait3A_109 = tpu.memref_squeeze %dma_wait3A_108 : memref<1x128x80xf32, #tpu.memory_space<vmem>> -> memref<128x80xf32, #tpu.memory_space<vmem>>
      %dma_wait3A_110 = arith.constant 0 : i32
      %dma_wait3A_111 = tpu.memref_slice %arg9[%add3A_11, %dma_wait3A_110] : memref<10112x80xf32, #tpu.memory_space<vmem_shared>> -> memref<128x80xf32, #tpu.memory_space<vmem_shared>>
      %dma_wait3A_112 = arith.constant 0 : i32
      %dma_wait3A_113 = tpu.memref_slice %arg9[%add3A_11, %dma_wait3A_112] : memref<10112x80xf32, #tpu.memory_space<vmem_shared>> -> memref<128x80xf32, #tpu.memory_space<vmem_shared>>
      %dma_wait3A_114 = arith.constant 0 : i32
      %dma_wait3A_115 = arith.constant 0 : i32
      %dma_wait3A_116 = tpu.memref_slice %arg8[%run_scoped3A_12, %dma_wait3A_114, %dma_wait3A_115] : memref<2x128x80xf32, #tpu.memory_space<vmem>> -> memref<1x128x80xf32, #tpu.memory_space<vmem>>
      %dma_wait3A_117 = tpu.memref_squeeze %dma_wait3A_116 : memref<1x128x80xf32, #tpu.memory_space<vmem>> -> memref<128x80xf32, #tpu.memory_space<vmem>>
      tpu.wait_dma2 semaphore(%run_scoped3A_93 : memref<!tpu.dma_semaphore, #tpu.memory_space<semaphore_mem>>) src(%dma_wait3A_117 : memref<128x80xf32, #tpu.memory_space<vmem>>) dst(%dma_wait3A_113 : memref<128x80xf32, #tpu.memory_space<vmem_shared>>)
      tpu.yield
    }) : () -> ()
    %add3A_13 = arith.constant 384 : i32
    %add3A_14 = arith.addi %mul3A_5, %add3A_13 : i32
    %run_scoped3A_15 = arith.constant 0 : i32
    "tpu.region"() ({
      %run_scoped3A_93 = tpu.sem_alloc : memref<!tpu.dma_semaphore, #tpu.memory_space<semaphore_mem>>
      %dma_start3A_94 = arith.constant 0 : i32
      %dma_start3A_95 = arith.constant 0 : i32
      %dma_start3A_96 = tpu.memref_slice %arg8[%run_scoped3A_15, %dma_start3A_94, %dma_start3A_95] : memref<2x128x80xf32, #tpu.memory_space<vmem>> -> memref<1x128x80xf32, #tpu.memory_space<vmem>>
      %dma_start3A_97 = tpu.memref_squeeze %dma_start3A_96 : memref<1x128x80xf32, #tpu.memory_space<vmem>> -> memref<128x80xf32, #tpu.memory_space<vmem>>
      %dma_start3A_98 = arith.constant 0 : i32
      %dma_start3A_99 = tpu.memref_slice %arg9[%add3A_14, %dma_start3A_98] : memref<10112x80xf32, #tpu.memory_space<vmem_shared>> -> memref<128x80xf32, #tpu.memory_space<vmem_shared>>
      %dma_start3A_100 = arith.constant 0 : i32
      %dma_start3A_101 = tpu.memref_slice %arg9[%add3A_14, %dma_start3A_100] : memref<10112x80xf32, #tpu.memory_space<vmem_shared>> -> memref<128x80xf32, #tpu.memory_space<vmem_shared>>
      %dma_start3A_102 = arith.constant 0 : i32
      %dma_start3A_103 = arith.constant 0 : i32
      %dma_start3A_104 = tpu.memref_slice %arg8[%run_scoped3A_15, %dma_start3A_102, %dma_start3A_103] : memref<2x128x80xf32, #tpu.memory_space<vmem>> -> memref<1x128x80xf32, #tpu.memory_space<vmem>>
      %dma_start3A_105 = tpu.memref_squeeze %dma_start3A_104 : memref<1x128x80xf32, #tpu.memory_space<vmem>> -> memref<128x80xf32, #tpu.memory_space<vmem>>
      tpu.enqueue_dma source(%dma_start3A_105 : memref<128x80xf32, #tpu.memory_space<vmem>>) target(%dma_start3A_101 : memref<128x80xf32, #tpu.memory_space<vmem_shared>>) target_semaphore(%run_scoped3A_93 : memref<!tpu.dma_semaphore, #tpu.memory_space<semaphore_mem>>)
      %dma_wait3A_106 = arith.constant 0 : i32
      %dma_wait3A_107 = arith.constant 0 : i32
      %dma_wait3A_108 = tpu.memref_slice %arg8[%run_scoped3A_15, %dma_wait3A_106, %dma_wait3A_107] : memref<2x128x80xf32, #tpu.memory_space<vmem>> -> memref<1x128x80xf32, #tpu.memory_space<vmem>>
      %dma_wait3A_109 = tpu.memref_squeeze %dma_wait3A_108 : memref<1x128x80xf32, #tpu.memory_space<vmem>> -> memref<128x80xf32, #tpu.memory_space<vmem>>
      %dma_wait3A_110 = arith.constant 0 : i32
      %dma_wait3A_111 = tpu.memref_slice %arg9[%add3A_14, %dma_wait3A_110] : memref<10112x80xf32, #tpu.memory_space<vmem_shared>> -> memref<128x80xf32, #tpu.memory_space<vmem_shared>>
      %dma_wait3A_112 = arith.constant 0 : i32
      %dma_wait3A_113 = tpu.memref_slice %arg9[%add3A_14, %dma_wait3A_112] : memref<10112x80xf32, #tpu.memory_space<vmem_shared>> -> memref<128x80xf32, #tpu.memory_space<vmem_shared>>
      %dma_wait3A_114 = arith.constant 0 : i32
      %dma_wait3A_115 = arith.constant 0 : i32
      %dma_wait3A_116 = tpu.memref_slice %arg8[%run_scoped3A_15, %dma_wait3A_114, %dma_wait3A_115] : memref<2x128x80xf32, #tpu.memory_space<vmem>> -> memref<1x128x80xf32, #tpu.memory_space<vmem>>
      %dma_wait3A_117 = tpu.memref_squeeze %dma_wait3A_116 : memref<1x128x80xf32, #tpu.memory_space<vmem>> -> memref<128x80xf32, #tpu.memory_space<vmem>>
      tpu.wait_dma2 semaphore(%run_scoped3A_93 : memref<!tpu.dma_semaphore, #tpu.memory_space<semaphore_mem>>) src(%dma_wait3A_117 : memref<128x80xf32, #tpu.memory_space<vmem>>) dst(%dma_wait3A_113 : memref<128x80xf32, #tpu.memory_space<vmem_shared>>)
      tpu.yield
    }) : () -> ()
    %add3A_16 = arith.constant 512 : i32
    %add3A_17 = arith.addi %mul3A_5, %add3A_16 : i32
    %run_scoped3A_18 = arith.constant 0 : i32
    "tpu.region"() ({
      %run_scoped3A_93 = tpu.sem_alloc : memref<!tpu.dma_semaphore, #tpu.memory_space<semaphore_mem>>
      %dma_start3A_94 = arith.constant 0 : i32
      %dma_start3A_95 = arith.constant 0 : i32
      %dma_start3A_96 = tpu.memref_slice %arg8[%run_scoped3A_18, %dma_start3A_94, %dma_start3A_95] : memref<2x128x80xf32, #tpu.memory_space<vmem>> -> memref<1x120x80xf32, #tpu.memory_space<vmem>>
      %dma_start3A_97 = tpu.memref_squeeze %dma_start3A_96 : memref<1x120x80xf32, #tpu.memory_space<vmem>> -> memref<120x80xf32, #tpu.memory_space<vmem>>
      %dma_start3A_98 = arith.constant 0 : i32
      %dma_start3A_99 = tpu.memref_slice %arg9[%add3A_17, %dma_start3A_98] : memref<10112x80xf32, #tpu.memory_space<vmem_shared>> -> memref<120x80xf32, #tpu.memory_space<vmem_shared>>
      %dma_start3A_100 = arith.constant 0 : i32
      %dma_start3A_101 = tpu.memref_slice %arg9[%add3A_17, %dma_start3A_100] : memref<10112x80xf32, #tpu.memory_space<vmem_shared>> -> memref<120x80xf32, #tpu.memory_space<vmem_shared>>
      %dma_start3A_102 = arith.constant 0 : i32
      %dma_start3A_103 = arith.constant 0 : i32
      %dma_start3A_104 = tpu.memref_slice %arg8[%run_scoped3A_18, %dma_start3A_102, %dma_start3A_103] : memref<2x128x80xf32, #tpu.memory_space<vmem>> -> memref<1x120x80xf32, #tpu.memory_space<vmem>>
      %dma_start3A_105 = tpu.memref_squeeze %dma_start3A_104 : memref<1x120x80xf32, #tpu.memory_space<vmem>> -> memref<120x80xf32, #tpu.memory_space<vmem>>
      tpu.enqueue_dma source(%dma_start3A_105 : memref<120x80xf32, #tpu.memory_space<vmem>>) target(%dma_start3A_101 : memref<120x80xf32, #tpu.memory_space<vmem_shared>>) target_semaphore(%run_scoped3A_93 : memref<!tpu.dma_semaphore, #tpu.memory_space<semaphore_mem>>)
      %dma_wait3A_106 = arith.constant 0 : i32
      %dma_wait3A_107 = arith.constant 0 : i32
      %dma_wait3A_108 = tpu.memref_slice %arg8[%run_scoped3A_18, %dma_wait3A_106, %dma_wait3A_107] : memref<2x128x80xf32, #tpu.memory_space<vmem>> -> memref<1x120x80xf32, #tpu.memory_space<vmem>>
      %dma_wait3A_109 = tpu.memref_squeeze %dma_wait3A_108 : memref<1x120x80xf32, #tpu.memory_space<vmem>> -> memref<120x80xf32, #tpu.memory_space<vmem>>
      %dma_wait3A_110 = arith.constant 0 : i32
      %dma_wait3A_111 = tpu.memref_slice %arg9[%add3A_17, %dma_wait3A_110] : memref<10112x80xf32, #tpu.memory_space<vmem_shared>> -> memref<120x80xf32, #tpu.memory_space<vmem_shared>>
      %dma_wait3A_112 = arith.constant 0 : i32
      %dma_wait3A_113 = tpu.memref_slice %arg9[%add3A_17, %dma_wait3A_112] : memref<10112x80xf32, #tpu.memory_space<vmem_shared>> -> memref<120x80xf32, #tpu.memory_space<vmem_shared>>
      %dma_wait3A_114 = arith.constant 0 : i32
      %dma_wait3A_115 = arith.constant 0 : i32
      %dma_wait3A_116 = tpu.memref_slice %arg8[%run_scoped3A_18, %dma_wait3A_114, %dma_wait3A_115] : memref<2x128x80xf32, #tpu.memory_space<vmem>> -> memref<1x120x80xf32, #tpu.memory_space<vmem>>
      %dma_wait3A_117 = tpu.memref_squeeze %dma_wait3A_116 : memref<1x120x80xf32, #tpu.memory_space<vmem>> -> memref<120x80xf32, #tpu.memory_space<vmem>>
      tpu.wait_dma2 semaphore(%run_scoped3A_93 : memref<!tpu.dma_semaphore, #tpu.memory_space<semaphore_mem>>) src(%dma_wait3A_117 : memref<120x80xf32, #tpu.memory_space<vmem>>) dst(%dma_wait3A_113 : memref<120x80xf32, #tpu.memory_space<vmem_shared>>)
      tpu.yield
    }) : () -> ()
    %barrier3A = arith.constant 0 : index
    tpu.barrier barrier_id(%barrier3A)
    %mul3A_19 = arith.constant 160 : i32
    %mul3A_20 = arith.muli %arg1, %mul3A_19 : i32
    "tpu.region"() ({
      %run_scoped3A_93 = tpu.sem_alloc : memref<!tpu.dma_semaphore, #tpu.memory_space<semaphore_mem>>
      %dma_start3A_94 = arith.constant 0 : i32
      %dma_start3A_95 = tpu.memref_slice %arg3[%mul3A_20, %dma_start3A_94] : memref<2560x128xi32, #tpu.memory_space<hbm>> -> memref<160x128xi32, #tpu.memory_space<hbm>>
      %dma_start3A_96 = arith.constant 0 : i32
      %dma_start3A_97 = tpu.memref_slice %arg3[%mul3A_20, %dma_start3A_96] : memref<2560x128xi32, #tpu.memory_space<hbm>> -> memref<160x128xi32, #tpu.memory_space<hbm>>
      tpu.enqueue_dma source(%dma_start3A_97 : memref<160x128xi32, #tpu.memory_space<hbm>>) target(%arg6 : memref<160x128xi32, #tpu.memory_space<vmem>>) target_semaphore(%run_scoped3A_93 : memref<!tpu.dma_semaphore, #tpu.memory_space<semaphore_mem>>)
      %dma_wait3A_98 = arith.constant 0 : i32
      %dma_wait3A_99 = tpu.memref_slice %arg3[%mul3A_20, %dma_wait3A_98] : memref<2560x128xi32, #tpu.memory_space<hbm>> -> memref<160x128xi32, #tpu.memory_space<hbm>>
      %dma_wait3A_100 = arith.constant 0 : i32
      %dma_wait3A_101 = tpu.memref_slice %arg3[%mul3A_20, %dma_wait3A_100] : memref<2560x128xi32, #tpu.memory_space<hbm>> -> memref<160x128xi32, #tpu.memory_space<hbm>>
      tpu.wait_dma2 semaphore(%run_scoped3A_93 : memref<!tpu.dma_semaphore, #tpu.memory_space<semaphore_mem>>) src(%dma_wait3A_101 : memref<160x128xi32, #tpu.memory_space<hbm>>) dst(%arg6 : memref<160x128xi32, #tpu.memory_space<vmem>>)
      tpu.yield
    }) : () -> ()
    "tpu.region"() ({
      %run_scoped3A_93 = tpu.sem_alloc : memref<!tpu.dma_semaphore, #tpu.memory_space<semaphore_mem>>
      %dma_start3A_94 = arith.constant 0 : i32
      %dma_start3A_95 = tpu.memref_slice %arg4[%mul3A_20, %dma_start3A_94] : memref<2560x128xi32, #tpu.memory_space<hbm>> -> memref<160x128xi32, #tpu.memory_space<hbm>>
      %dma_start3A_96 = arith.constant 0 : i32
      %dma_start3A_97 = tpu.memref_slice %arg4[%mul3A_20, %dma_start3A_96] : memref<2560x128xi32, #tpu.memory_space<hbm>> -> memref<160x128xi32, #tpu.memory_space<hbm>>
      tpu.enqueue_dma source(%dma_start3A_97 : memref<160x128xi32, #tpu.memory_space<hbm>>) target(%arg7 : memref<160x128xi32, #tpu.memory_space<vmem>>) target_semaphore(%run_scoped3A_93 : memref<!tpu.dma_semaphore, #tpu.memory_space<semaphore_mem>>)
      %dma_wait3A_98 = arith.constant 0 : i32
      %dma_wait3A_99 = tpu.memref_slice %arg4[%mul3A_20, %dma_wait3A_98] : memref<2560x128xi32, #tpu.memory_space<hbm>> -> memref<160x128xi32, #tpu.memory_space<hbm>>
      %dma_wait3A_100 = arith.constant 0 : i32
      %dma_wait3A_101 = tpu.memref_slice %arg4[%mul3A_20, %dma_wait3A_100] : memref<2560x128xi32, #tpu.memory_space<hbm>> -> memref<160x128xi32, #tpu.memory_space<hbm>>
      tpu.wait_dma2 semaphore(%run_scoped3A_93 : memref<!tpu.dma_semaphore, #tpu.memory_space<semaphore_mem>>) src(%dma_wait3A_101 : memref<160x128xi32, #tpu.memory_space<hbm>>) dst(%arg7 : memref<160x128xi32, #tpu.memory_space<vmem>>)
      tpu.yield
    }) : () -> ()
    %dma_start3A = arith.constant 0 : i32
    %dma_start3A_21 = arith.constant 0 : i32
    %dma_start3A_22 = arith.constant 0 : i32
    %dma_start3A_23 = arith.constant 0 : i32
    %dma_start3A_24 = tpu.memref_slice %arg8[%dma_start3A_21, %dma_start3A_22, %dma_start3A_23] : memref<2x128x80xf32, #tpu.memory_space<vmem>> -> memref<1x128x80xf32, #tpu.memory_space<vmem>>
    %dma_start3A_25 = tpu.memref_squeeze %dma_start3A_24 : memref<1x128x80xf32, #tpu.memory_space<vmem>> -> memref<128x80xf32, #tpu.memory_space<vmem>>
    %dma_start3A_26 = arith.constant 0 : i32
    %dma_start3A_27 = tpu.memref_slice %arg6[%dma_start3A, %dma_start3A_26] : memref<160x128xi32, #tpu.memory_space<vmem>> -> memref<1x128xi32, #tpu.memory_space<vmem>>
    %dma_start3A_28 = tpu.memref_squeeze %dma_start3A_27 : memref<1x128xi32, #tpu.memory_space<vmem>> -> memref<128xi32, #tpu.memory_space<vmem>>
    %dma_start3A_29 = arith.constant 0 : i32
    %dma_start3A_30 = arith.constant 0 : i32
    %dma_start3A_31 = tpu.memref_slice %arg2[%arg0, %dma_start3A_29, %dma_start3A_30] : memref<2x10000x80xf32, #tpu.memory_space<hbm>> -> memref<1x10000x80xf32, #tpu.memory_space<hbm>>
    %dma_start3A_32 = tpu.memref_squeeze %dma_start3A_31 : memref<1x10000x80xf32, #tpu.memory_space<hbm>> -> memref<10000x80xf32, #tpu.memory_space<hbm>>
    %dma_start3A_33 = arith.constant 0 : i32
    %dma_start3A_34 = arith.constant 0 : i32
    %dma_start3A_35 = tpu.memref_slice %dma_start3A_32[%dma_start3A_33, %dma_start3A_34] : memref<10000x80xf32, #tpu.memory_space<hbm>> -> memref<10000x80xf32, #tpu.memory_space<hbm>>
    tpu.enqueue_indirect_dma source(%dma_start3A_35 : memref<10000x80xf32, #tpu.memory_space<hbm>>) target(%dma_start3A_25 : memref<128x80xf32, #tpu.memory_space<vmem>>) offsets(%dma_start3A_28 : memref<128xi32, #tpu.memory_space<vmem>>) semaphore(%arg10 : memref<!tpu.dma_semaphore, #tpu.memory_space<semaphore_mem>>)
    %dma_start3A_36 = arith.constant 1 : i32
    %dma_start3A_37 = arith.constant 1 : i32
    %dma_start3A_38 = arith.constant 0 : i32
    %dma_start3A_39 = arith.constant 0 : i32
    %dma_start3A_40 = tpu.memref_slice %arg8[%dma_start3A_37, %dma_start3A_38, %dma_start3A_39] : memref<2x128x80xf32, #tpu.memory_space<vmem>> -> memref<1x128x80xf32, #tpu.memory_space<vmem>>
    %dma_start3A_41 = tpu.memref_squeeze %dma_start3A_40 : memref<1x128x80xf32, #tpu.memory_space<vmem>> -> memref<128x80xf32, #tpu.memory_space<vmem>>
    %dma_start3A_42 = arith.constant 0 : i32
    %dma_start3A_43 = tpu.memref_slice %arg6[%dma_start3A_36, %dma_start3A_42] : memref<160x128xi32, #tpu.memory_space<vmem>> -> memref<1x128xi32, #tpu.memory_space<vmem>>
    %dma_start3A_44 = tpu.memref_squeeze %dma_start3A_43 : memref<1x128xi32, #tpu.memory_space<vmem>> -> memref<128xi32, #tpu.memory_space<vmem>>
    %dma_start3A_45 = arith.constant 0 : i32
    %dma_start3A_46 = arith.constant 0 : i32
    %dma_start3A_47 = tpu.memref_slice %arg2[%arg0, %dma_start3A_45, %dma_start3A_46] : memref<2x10000x80xf32, #tpu.memory_space<hbm>> -> memref<1x10000x80xf32, #tpu.memory_space<hbm>>
    %dma_start3A_48 = tpu.memref_squeeze %dma_start3A_47 : memref<1x10000x80xf32, #tpu.memory_space<hbm>> -> memref<10000x80xf32, #tpu.memory_space<hbm>>
    %dma_start3A_49 = arith.constant 0 : i32
    %dma_start3A_50 = arith.constant 0 : i32
    %dma_start3A_51 = tpu.memref_slice %dma_start3A_48[%dma_start3A_49, %dma_start3A_50] : memref<10000x80xf32, #tpu.memory_space<hbm>> -> memref<10000x80xf32, #tpu.memory_space<hbm>>
    tpu.enqueue_indirect_dma source(%dma_start3A_51 : memref<10000x80xf32, #tpu.memory_space<hbm>>) target(%dma_start3A_41 : memref<128x80xf32, #tpu.memory_space<vmem>>) offsets(%dma_start3A_44 : memref<128xi32, #tpu.memory_space<vmem>>) semaphore(%arg11 : memref<!tpu.dma_semaphore, #tpu.memory_space<semaphore_mem>>)
    %scan3A_52 = arith.constant 0 : i32
    %scan3A_53 = arith.constant 79 : i32
    %scan3A_54 = arith.addi %scan3A_52, %scan3A_53 : i32
    %scan3A_55 = arith.constant 1 : i32
    scf.for %scan3A_93 = %scan3A_52 to %scan3A_54 step %scan3A_55  : i32 {
      %mul3A_94 = arith.constant 1 : i32
      %mul3A_95 = arith.muli %scan3A_93, %mul3A_94 : i32
      %add3A_96 = arith.constant 0 : i32
      %add3A_97 = arith.addi %add3A_96, %mul3A_95 : i32
      %mul3A_98 = arith.constant 2 : i32
      %mul3A_99 = arith.muli %mul3A_98, %add3A_97 : i32
      %add3A_100 = arith.constant 0 : i32
      %add3A_101 = arith.addi %mul3A_99, %add3A_100 : i32
      %dma_wait3A_102 = arith.constant 0 : i32
      %dma_wait3A_103 = arith.constant 0 : i32
      %dma_wait3A_104 = arith.constant 0 : i32
      %dma_wait3A_105 = tpu.memref_slice %arg8[%dma_wait3A_102, %dma_wait3A_103, %dma_wait3A_104] : memref<2x128x80xf32, #tpu.memory_space<vmem>> -> memref<1x128x80xf32, #tpu.memory_space<vmem>>
      %dma_wait3A_106 = tpu.memref_squeeze %dma_wait3A_105 : memref<1x128x80xf32, #tpu.memory_space<vmem>> -> memref<128x80xf32, #tpu.memory_space<vmem>>
      %dma_wait3A_107 = arith.constant 0 : i32
      %dma_wait3A_108 = tpu.memref_slice %arg6[%add3A_101, %dma_wait3A_107] : memref<160x128xi32, #tpu.memory_space<vmem>> -> memref<1x128xi32, #tpu.memory_space<vmem>>
      %dma_wait3A_109 = tpu.memref_squeeze %dma_wait3A_108 : memref<1x128xi32, #tpu.memory_space<vmem>> -> memref<128xi32, #tpu.memory_space<vmem>>
      %dma_wait3A_110 = arith.constant 0 : i32
      %dma_wait3A_111 = arith.constant 0 : i32
      %dma_wait3A_112 = tpu.memref_slice %arg2[%arg0, %dma_wait3A_110, %dma_wait3A_111] : memref<2x10000x80xf32, #tpu.memory_space<hbm>> -> memref<1x10000x80xf32, #tpu.memory_space<hbm>>
      %dma_wait3A_113 = tpu.memref_squeeze %dma_wait3A_112 : memref<1x10000x80xf32, #tpu.memory_space<hbm>> -> memref<10000x80xf32, #tpu.memory_space<hbm>>
      %dma_wait3A_114 = arith.constant 0 : i32
      %dma_wait3A_115 = arith.constant 0 : i32
      %dma_wait3A_116 = tpu.memref_slice %dma_wait3A_113[%dma_wait3A_114, %dma_wait3A_115] : memref<10000x80xf32, #tpu.memory_space<hbm>> -> memref<10000x80xf32, #tpu.memory_space<hbm>>
      tpu.wait_indirect_dma semaphore(%arg10 : memref<!tpu.dma_semaphore, #tpu.memory_space<semaphore_mem>>) src(%dma_wait3A_116 : memref<10000x80xf32, #tpu.memory_space<hbm>>) dst(%dma_wait3A_106 : memref<128x80xf32, #tpu.memory_space<vmem>>)
      %add3A_117 = arith.constant 2 : i32
      %add3A_118 = arith.addi %add3A_101, %add3A_117 : i32
      %dma_start3A_119 = arith.constant 0 : i32
      %dma_start3A_120 = arith.constant 0 : i32
      %dma_start3A_121 = arith.constant 0 : i32
      %dma_start3A_122 = tpu.memref_slice %arg8[%dma_start3A_119, %dma_start3A_120, %dma_start3A_121] : memref<2x128x80xf32, #tpu.memory_space<vmem>> -> memref<1x128x80xf32, #tpu.memory_space<vmem>>
      %dma_start3A_123 = tpu.memref_squeeze %dma_start3A_122 : memref<1x128x80xf32, #tpu.memory_space<vmem>> -> memref<128x80xf32, #tpu.memory_space<vmem>>
      %dma_start3A_124 = arith.constant 0 : i32
      %dma_start3A_125 = tpu.memref_slice %arg6[%add3A_118, %dma_start3A_124] : memref<160x128xi32, #tpu.memory_space<vmem>> -> memref<1x128xi32, #tpu.memory_space<vmem>>
      %dma_start3A_126 = tpu.memref_squeeze %dma_start3A_125 : memref<1x128xi32, #tpu.memory_space<vmem>> -> memref<128xi32, #tpu.memory_space<vmem>>
      %dma_start3A_127 = arith.constant 0 : i32
      %dma_start3A_128 = arith.constant 0 : i32
      %dma_start3A_129 = tpu.memref_slice %arg2[%arg0, %dma_start3A_127, %dma_start3A_128] : memref<2x10000x80xf32, #tpu.memory_space<hbm>> -> memref<1x10000x80xf32, #tpu.memory_space<hbm>>
      %dma_start3A_130 = tpu.memref_squeeze %dma_start3A_129 : memref<1x10000x80xf32, #tpu.memory_space<hbm>> -> memref<10000x80xf32, #tpu.memory_space<hbm>>
      %dma_start3A_131 = arith.constant 0 : i32
      %dma_start3A_132 = arith.constant 0 : i32
      %dma_start3A_133 = tpu.memref_slice %dma_start3A_130[%dma_start3A_131, %dma_start3A_132] : memref<10000x80xf32, #tpu.memory_space<hbm>> -> memref<10000x80xf32, #tpu.memory_space<hbm>>
      tpu.enqueue_indirect_dma source(%dma_start3A_133 : memref<10000x80xf32, #tpu.memory_space<hbm>>) target(%dma_start3A_123 : memref<128x80xf32, #tpu.memory_space<vmem>>) offsets(%dma_start3A_126 : memref<128xi32, #tpu.memory_space<vmem>>) semaphore(%arg10 : memref<!tpu.dma_semaphore, #tpu.memory_space<semaphore_mem>>)
      %run_scoped3A_134 = arith.constant 0 : i32
      "tpu.region"() ({
        %run_scoped3A_172 = tpu.sem_alloc : memref<!tpu.dma_semaphore, #tpu.memory_space<semaphore_mem>>
        %dma_start3A_173 = arith.constant 0 : i32
        %dma_start3A_174 = arith.constant 0 : i32
        %dma_start3A_175 = tpu.memref_slice %arg8[%run_scoped3A_134, %dma_start3A_173, %dma_start3A_174] : memref<2x128x80xf32, #tpu.memory_space<vmem>> -> memref<1x128x80xf32, #tpu.memory_space<vmem>>
        %dma_start3A_176 = tpu.memref_squeeze %dma_start3A_175 : memref<1x128x80xf32, #tpu.memory_space<vmem>> -> memref<128x80xf32, #tpu.memory_space<vmem>>
        %dma_start3A_177 = arith.constant 0 : i32
        %dma_start3A_178 = tpu.memref_slice %arg7[%add3A_101, %dma_start3A_177] : memref<160x128xi32, #tpu.memory_space<vmem>> -> memref<1x128xi32, #tpu.memory_space<vmem>>
        %dma_start3A_179 = tpu.memref_squeeze %dma_start3A_178 : memref<1x128xi32, #tpu.memory_space<vmem>> -> memref<128xi32, #tpu.memory_space<vmem>>
        %dma_start3A_180 = arith.constant 0 : i32
        %dma_start3A_181 = arith.constant 0 : i32
        %dma_start3A_182 = tpu.memref_slice %arg9[%dma_start3A_180, %dma_start3A_181] : memref<10112x80xf32, #tpu.memory_space<vmem_shared>> -> memref<10112x80xf32, #tpu.memory_space<vmem_shared>>
        tpu.enqueue_indirect_dma source(%dma_start3A_176 : memref<128x80xf32, #tpu.memory_space<vmem>>) target(%dma_start3A_182 : memref<10112x80xf32, #tpu.memory_space<vmem_shared>>) offsets(%dma_start3A_179 : memref<128xi32, #tpu.memory_space<vmem>>) semaphore(%run_scoped3A_172 : memref<!tpu.dma_semaphore, #tpu.memory_space<semaphore_mem>>) {add = true}
        %dma_wait3A_183 = arith.constant 0 : i32
        %dma_wait3A_184 = arith.constant 0 : i32
        %dma_wait3A_185 = tpu.memref_slice %arg8[%run_scoped3A_134, %dma_wait3A_183, %dma_wait3A_184] : memref<2x128x80xf32, #tpu.memory_space<vmem>> -> memref<1x128x80xf32, #tpu.memory_space<vmem>>
        %dma_wait3A_186 = tpu.memref_squeeze %dma_wait3A_185 : memref<1x128x80xf32, #tpu.memory_space<vmem>> -> memref<128x80xf32, #tpu.memory_space<vmem>>
        %dma_wait3A_187 = arith.constant 0 : i32
        %dma_wait3A_188 = tpu.memref_slice %arg7[%add3A_101, %dma_wait3A_187] : memref<160x128xi32, #tpu.memory_space<vmem>> -> memref<1x128xi32, #tpu.memory_space<vmem>>
        %dma_wait3A_189 = tpu.memref_squeeze %dma_wait3A_188 : memref<1x128xi32, #tpu.memory_space<vmem>> -> memref<128xi32, #tpu.memory_space<vmem>>
        %dma_wait3A_190 = arith.constant 0 : i32
        %dma_wait3A_191 = arith.constant 0 : i32
        %dma_wait3A_192 = tpu.memref_slice %arg9[%dma_wait3A_190, %dma_wait3A_191] : memref<10112x80xf32, #tpu.memory_space<vmem_shared>> -> memref<10112x80xf32, #tpu.memory_space<vmem_shared>>
        tpu.wait_indirect_dma semaphore(%run_scoped3A_172 : memref<!tpu.dma_semaphore, #tpu.memory_space<semaphore_mem>>) src(%dma_wait3A_186 : memref<128x80xf32, #tpu.memory_space<vmem>>) dst(%dma_wait3A_192 : memref<10112x80xf32, #tpu.memory_space<vmem_shared>>)
        tpu.yield
      }) : () -> ()
      %mul3A_135 = arith.constant 2 : i32
      %mul3A_136 = arith.muli %mul3A_135, %add3A_97 : i32
      %add3A_137 = arith.constant 1 : i32
      %add3A_138 = arith.addi %mul3A_136, %add3A_137 : i32
      %dma_wait3A_139 = arith.constant 1 : i32
      %dma_wait3A_140 = arith.constant 0 : i32
      %dma_wait3A_141 = arith.constant 0 : i32
      %dma_wait3A_142 = tpu.memref_slice %arg8[%dma_wait3A_139, %dma_wait3A_140, %dma_wait3A_141] : memref<2x128x80xf32, #tpu.memory_space<vmem>> -> memref<1x128x80xf32, #tpu.memory_space<vmem>>
      %dma_wait3A_143 = tpu.memref_squeeze %dma_wait3A_142 : memref<1x128x80xf32, #tpu.memory_space<vmem>> -> memref<128x80xf32, #tpu.memory_space<vmem>>
      %dma_wait3A_144 = arith.constant 0 : i32
      %dma_wait3A_145 = tpu.memref_slice %arg6[%add3A_138, %dma_wait3A_144] : memref<160x128xi32, #tpu.memory_space<vmem>> -> memref<1x128xi32, #tpu.memory_space<vmem>>
      %dma_wait3A_146 = tpu.memref_squeeze %dma_wait3A_145 : memref<1x128xi32, #tpu.memory_space<vmem>> -> memref<128xi32, #tpu.memory_space<vmem>>
      %dma_wait3A_147 = arith.constant 0 : i32
      %dma_wait3A_148 = arith.constant 0 : i32
      %dma_wait3A_149 = tpu.memref_slice %arg2[%arg0, %dma_wait3A_147, %dma_wait3A_148] : memref<2x10000x80xf32, #tpu.memory_space<hbm>> -> memref<1x10000x80xf32, #tpu.memory_space<hbm>>
      %dma_wait3A_150 = tpu.memref_squeeze %dma_wait3A_149 : memref<1x10000x80xf32, #tpu.memory_space<hbm>> -> memref<10000x80xf32, #tpu.memory_space<hbm>>
      %dma_wait3A_151 = arith.constant 0 : i32
      %dma_wait3A_152 = arith.constant 0 : i32
      %dma_wait3A_153 = tpu.memref_slice %dma_wait3A_150[%dma_wait3A_151, %dma_wait3A_152] : memref<10000x80xf32, #tpu.memory_space<hbm>> -> memref<10000x80xf32, #tpu.memory_space<hbm>>
      tpu.wait_indirect_dma semaphore(%arg11 : memref<!tpu.dma_semaphore, #tpu.memory_space<semaphore_mem>>) src(%dma_wait3A_153 : memref<10000x80xf32, #tpu.memory_space<hbm>>) dst(%dma_wait3A_143 : memref<128x80xf32, #tpu.memory_space<vmem>>)
      %add3A_154 = arith.constant 2 : i32
      %add3A_155 = arith.addi %add3A_138, %add3A_154 : i32
      %dma_start3A_156 = arith.constant 1 : i32
      %dma_start3A_157 = arith.constant 0 : i32
      %dma_start3A_158 = arith.constant 0 : i32
      %dma_start3A_159 = tpu.memref_slice %arg8[%dma_start3A_156, %dma_start3A_157, %dma_start3A_158] : memref<2x128x80xf32, #tpu.memory_space<vmem>> -> memref<1x128x80xf32, #tpu.memory_space<vmem>>
      %dma_start3A_160 = tpu.memref_squeeze %dma_start3A_159 : memref<1x128x80xf32, #tpu.memory_space<vmem>> -> memref<128x80xf32, #tpu.memory_space<vmem>>
      %dma_start3A_161 = arith.constant 0 : i32
      %dma_start3A_162 = tpu.memref_slice %arg6[%add3A_155, %dma_start3A_161] : memref<160x128xi32, #tpu.memory_space<vmem>> -> memref<1x128xi32, #tpu.memory_space<vmem>>
      %dma_start3A_163 = tpu.memref_squeeze %dma_start3A_162 : memref<1x128xi32, #tpu.memory_space<vmem>> -> memref<128xi32, #tpu.memory_space<vmem>>
      %dma_start3A_164 = arith.constant 0 : i32
      %dma_start3A_165 = arith.constant 0 : i32
      %dma_start3A_166 = tpu.memref_slice %arg2[%arg0, %dma_start3A_164, %dma_start3A_165] : memref<2x10000x80xf32, #tpu.memory_space<hbm>> -> memref<1x10000x80xf32, #tpu.memory_space<hbm>>
      %dma_start3A_167 = tpu.memref_squeeze %dma_start3A_166 : memref<1x10000x80xf32, #tpu.memory_space<hbm>> -> memref<10000x80xf32, #tpu.memory_space<hbm>>
      %dma_start3A_168 = arith.constant 0 : i32
      %dma_start3A_169 = arith.constant 0 : i32
      %dma_start3A_170 = tpu.memref_slice %dma_start3A_167[%dma_start3A_168, %dma_start3A_169] : memref<10000x80xf32, #tpu.memory_space<hbm>> -> memref<10000x80xf32, #tpu.memory_space<hbm>>
      tpu.enqueue_indirect_dma source(%dma_start3A_170 : memref<10000x80xf32, #tpu.memory_space<hbm>>) target(%dma_start3A_160 : memref<128x80xf32, #tpu.memory_space<vmem>>) offsets(%dma_start3A_163 : memref<128xi32, #tpu.memory_space<vmem>>) semaphore(%arg11 : memref<!tpu.dma_semaphore, #tpu.memory_space<semaphore_mem>>)
      %run_scoped3A_171 = arith.constant 1 : i32
      "tpu.region"() ({
        %run_scoped3A_172 = tpu.sem_alloc : memref<!tpu.dma_semaphore, #tpu.memory_space<semaphore_mem>>
        %dma_start3A_173 = arith.constant 0 : i32
        %dma_start3A_174 = arith.constant 0 : i32
        %dma_start3A_175 = tpu.memref_slice %arg8[%run_scoped3A_171, %dma_start3A_173, %dma_start3A_174] : memref<2x128x80xf32, #tpu.memory_space<vmem>> -> memref<1x128x80xf32, #tpu.memory_space<vmem>>
        %dma_start3A_176 = tpu.memref_squeeze %dma_start3A_175 : memref<1x128x80xf32, #tpu.memory_space<vmem>> -> memref<128x80xf32, #tpu.memory_space<vmem>>
        %dma_start3A_177 = arith.constant 0 : i32
        %dma_start3A_178 = tpu.memref_slice %arg7[%add3A_138, %dma_start3A_177] : memref<160x128xi32, #tpu.memory_space<vmem>> -> memref<1x128xi32, #tpu.memory_space<vmem>>
        %dma_start3A_179 = tpu.memref_squeeze %dma_start3A_178 : memref<1x128xi32, #tpu.memory_space<vmem>> -> memref<128xi32, #tpu.memory_space<vmem>>
        %dma_start3A_180 = arith.constant 0 : i32
        %dma_start3A_181 = arith.constant 0 : i32
        %dma_start3A_182 = tpu.memref_slice %arg9[%dma_start3A_180, %dma_start3A_181] : memref<10112x80xf32, #tpu.memory_space<vmem_shared>> -> memref<10112x80xf32, #tpu.memory_space<vmem_shared>>
        tpu.enqueue_indirect_dma source(%dma_start3A_176 : memref<128x80xf32, #tpu.memory_space<vmem>>) target(%dma_start3A_182 : memref<10112x80xf32, #tpu.memory_space<vmem_shared>>) offsets(%dma_start3A_179 : memref<128xi32, #tpu.memory_space<vmem>>) semaphore(%run_scoped3A_172 : memref<!tpu.dma_semaphore, #tpu.memory_space<semaphore_mem>>) {add = true}
        %dma_wait3A_183 = arith.constant 0 : i32
        %dma_wait3A_184 = arith.constant 0 : i32
        %dma_wait3A_185 = tpu.memref_slice %arg8[%run_scoped3A_171, %dma_wait3A_183, %dma_wait3A_184] : memref<2x128x80xf32, #tpu.memory_space<vmem>> -> memref<1x128x80xf32, #tpu.memory_space<vmem>>
        %dma_wait3A_186 = tpu.memref_squeeze %dma_wait3A_185 : memref<1x128x80xf32, #tpu.memory_space<vmem>> -> memref<128x80xf32, #tpu.memory_space<vmem>>
        %dma_wait3A_187 = arith.constant 0 : i32
        %dma_wait3A_188 = tpu.memref_slice %arg7[%add3A_138, %dma_wait3A_187] : memref<160x128xi32, #tpu.memory_space<vmem>> -> memref<1x128xi32, #tpu.memory_space<vmem>>
        %dma_wait3A_189 = tpu.memref_squeeze %dma_wait3A_188 : memref<1x128xi32, #tpu.memory_space<vmem>> -> memref<128xi32, #tpu.memory_space<vmem>>
        %dma_wait3A_190 = arith.constant 0 : i32
        %dma_wait3A_191 = arith.constant 0 : i32
        %dma_wait3A_192 = tpu.memref_slice %arg9[%dma_wait3A_190, %dma_wait3A_191] : memref<10112x80xf32, #tpu.memory_space<vmem_shared>> -> memref<10112x80xf32, #tpu.memory_space<vmem_shared>>
        tpu.wait_indirect_dma semaphore(%run_scoped3A_172 : memref<!tpu.dma_semaphore, #tpu.memory_space<semaphore_mem>>) src(%dma_wait3A_186 : memref<128x80xf32, #tpu.memory_space<vmem>>) dst(%dma_wait3A_192 : memref<10112x80xf32, #tpu.memory_space<vmem_shared>>)
        tpu.yield
      }) : () -> ()
    }
    %scan3A_56 = arith.constant 79 : i32
    %dma_wait3A = arith.constant 158 : i32
    %dma_wait3A_57 = arith.constant 0 : i32
    %dma_wait3A_58 = arith.constant 0 : i32
    %dma_wait3A_59 = arith.constant 0 : i32
    %dma_wait3A_60 = tpu.memref_slice %arg8[%dma_wait3A_57, %dma_wait3A_58, %dma_wait3A_59] : memref<2x128x80xf32, #tpu.memory_space<vmem>> -> memref<1x128x80xf32, #tpu.memory_space<vmem>>
    %dma_wait3A_61 = tpu.memref_squeeze %dma_wait3A_60 : memref<1x128x80xf32, #tpu.memory_space<vmem>> -> memref<128x80xf32, #tpu.memory_space<vmem>>
    %dma_wait3A_62 = arith.constant 0 : i32
    %dma_wait3A_63 = tpu.memref_slice %arg6[%dma_wait3A, %dma_wait3A_62] : memref<160x128xi32, #tpu.memory_space<vmem>> -> memref<1x128xi32, #tpu.memory_space<vmem>>
    %dma_wait3A_64 = tpu.memref_squeeze %dma_wait3A_63 : memref<1x128xi32, #tpu.memory_space<vmem>> -> memref<128xi32, #tpu.memory_space<vmem>>
    %dma_wait3A_65 = arith.constant 0 : i32
    %dma_wait3A_66 = arith.constant 0 : i32
    %dma_wait3A_67 = tpu.memref_slice %arg2[%arg0, %dma_wait3A_65, %dma_wait3A_66] : memref<2x10000x80xf32, #tpu.memory_space<hbm>> -> memref<1x10000x80xf32, #tpu.memory_space<hbm>>
    %dma_wait3A_68 = tpu.memref_squeeze %dma_wait3A_67 : memref<1x10000x80xf32, #tpu.memory_space<hbm>> -> memref<10000x80xf32, #tpu.memory_space<hbm>>
    %dma_wait3A_69 = arith.constant 0 : i32
    %dma_wait3A_70 = arith.constant 0 : i32
    %dma_wait3A_71 = tpu.memref_slice %dma_wait3A_68[%dma_wait3A_69, %dma_wait3A_70] : memref<10000x80xf32, #tpu.memory_space<hbm>> -> memref<10000x80xf32, #tpu.memory_space<hbm>>
    tpu.wait_indirect_dma semaphore(%arg10 : memref<!tpu.dma_semaphore, #tpu.memory_space<semaphore_mem>>) src(%dma_wait3A_71 : memref<10000x80xf32, #tpu.memory_space<hbm>>) dst(%dma_wait3A_61 : memref<128x80xf32, #tpu.memory_space<vmem>>)
    %run_scoped3A_72 = arith.constant 0 : i32
    %run_scoped3A_73 = arith.constant 158 : i32
    "tpu.region"() ({
      %run_scoped3A_93 = tpu.sem_alloc : memref<!tpu.dma_semaphore, #tpu.memory_space<semaphore_mem>>
      %dma_start3A_94 = arith.constant 0 : i32
      %dma_start3A_95 = arith.constant 0 : i32
      %dma_start3A_96 = tpu.memref_slice %arg8[%run_scoped3A_72, %dma_start3A_94, %dma_start3A_95] : memref<2x128x80xf32, #tpu.memory_space<vmem>> -> memref<1x128x80xf32, #tpu.memory_space<vmem>>
      %dma_start3A_97 = tpu.memref_squeeze %dma_start3A_96 : memref<1x128x80xf32, #tpu.memory_space<vmem>> -> memref<128x80xf32, #tpu.memory_space<vmem>>
      %dma_start3A_98 = arith.constant 0 : i32
      %dma_start3A_99 = tpu.memref_slice %arg7[%run_scoped3A_73, %dma_start3A_98] : memref<160x128xi32, #tpu.memory_space<vmem>> -> memref<1x128xi32, #tpu.memory_space<vmem>>
      %dma_start3A_100 = tpu.memref_squeeze %dma_start3A_99 : memref<1x128xi32, #tpu.memory_space<vmem>> -> memref<128xi32, #tpu.memory_space<vmem>>
      %dma_start3A_101 = arith.constant 0 : i32
      %dma_start3A_102 = arith.constant 0 : i32
      %dma_start3A_103 = tpu.memref_slice %arg9[%dma_start3A_101, %dma_start3A_102] : memref<10112x80xf32, #tpu.memory_space<vmem_shared>> -> memref<10112x80xf32, #tpu.memory_space<vmem_shared>>
      tpu.enqueue_indirect_dma source(%dma_start3A_97 : memref<128x80xf32, #tpu.memory_space<vmem>>) target(%dma_start3A_103 : memref<10112x80xf32, #tpu.memory_space<vmem_shared>>) offsets(%dma_start3A_100 : memref<128xi32, #tpu.memory_space<vmem>>) semaphore(%run_scoped3A_93 : memref<!tpu.dma_semaphore, #tpu.memory_space<semaphore_mem>>) {add = true}
      %dma_wait3A_104 = arith.constant 0 : i32
      %dma_wait3A_105 = arith.constant 0 : i32
      %dma_wait3A_106 = tpu.memref_slice %arg8[%run_scoped3A_72, %dma_wait3A_104, %dma_wait3A_105] : memref<2x128x80xf32, #tpu.memory_space<vmem>> -> memref<1x128x80xf32, #tpu.memory_space<vmem>>
      %dma_wait3A_107 = tpu.memref_squeeze %dma_wait3A_106 : memref<1x128x80xf32, #tpu.memory_space<vmem>> -> memref<128x80xf32, #tpu.memory_space<vmem>>
      %dma_wait3A_108 = arith.constant 0 : i32
      %dma_wait3A_109 = tpu.memref_slice %arg7[%run_scoped3A_73, %dma_wait3A_108] : memref<160x128xi32, #tpu.memory_space<vmem>> -> memref<1x128xi32, #tpu.memory_space<vmem>>
      %dma_wait3A_110 = tpu.memref_squeeze %dma_wait3A_109 : memref<1x128xi32, #tpu.memory_space<vmem>> -> memref<128xi32, #tpu.memory_space<vmem>>
      %dma_wait3A_111 = arith.constant 0 : i32
      %dma_wait3A_112 = arith.constant 0 : i32
      %dma_wait3A_113 = tpu.memref_slice %arg9[%dma_wait3A_111, %dma_wait3A_112] : memref<10112x80xf32, #tpu.memory_space<vmem_shared>> -> memref<10112x80xf32, #tpu.memory_space<vmem_shared>>
      tpu.wait_indirect_dma semaphore(%run_scoped3A_93 : memref<!tpu.dma_semaphore, #tpu.memory_space<semaphore_mem>>) src(%dma_wait3A_107 : memref<128x80xf32, #tpu.memory_space<vmem>>) dst(%dma_wait3A_113 : memref<10112x80xf32, #tpu.memory_space<vmem_shared>>)
      tpu.yield
    }) : () -> ()
    %dma_wait3A_74 = arith.constant 159 : i32
    %dma_wait3A_75 = arith.constant 1 : i32
    %dma_wait3A_76 = arith.constant 0 : i32
    %dma_wait3A_77 = arith.constant 0 : i32
    %dma_wait3A_78 = tpu.memref_slice %arg8[%dma_wait3A_75, %dma_wait3A_76, %dma_wait3A_77] : memref<2x128x80xf32, #tpu.memory_space<vmem>> -> memref<1x128x80xf32, #tpu.memory_space<vmem>>
    %dma_wait3A_79 = tpu.memref_squeeze %dma_wait3A_78 : memref<1x128x80xf32, #tpu.memory_space<vmem>> -> memref<128x80xf32, #tpu.memory_space<vmem>>
    %dma_wait3A_80 = arith.constant 0 : i32
    %dma_wait3A_81 = tpu.memref_slice %arg6[%dma_wait3A_74, %dma_wait3A_80] : memref<160x128xi32, #tpu.memory_space<vmem>> -> memref<1x128xi32, #tpu.memory_space<vmem>>
    %dma_wait3A_82 = tpu.memref_squeeze %dma_wait3A_81 : memref<1x128xi32, #tpu.memory_space<vmem>> -> memref<128xi32, #tpu.memory_space<vmem>>
    %dma_wait3A_83 = arith.constant 0 : i32
    %dma_wait3A_84 = arith.constant 0 : i32
    %dma_wait3A_85 = tpu.memref_slice %arg2[%arg0, %dma_wait3A_83, %dma_wait3A_84] : memref<2x10000x80xf32, #tpu.memory_space<hbm>> -> memref<1x10000x80xf32, #tpu.memory_space<hbm>>
    %dma_wait3A_86 = tpu.memref_squeeze %dma_wait3A_85 : memref<1x10000x80xf32, #tpu.memory_space<hbm>> -> memref<10000x80xf32, #tpu.memory_space<hbm>>
    %dma_wait3A_87 = arith.constant 0 : i32
    %dma_wait3A_88 = arith.constant 0 : i32
    %dma_wait3A_89 = tpu.memref_slice %dma_wait3A_86[%dma_wait3A_87, %dma_wait3A_88] : memref<10000x80xf32, #tpu.memory_space<hbm>> -> memref<10000x80xf32, #tpu.memory_space<hbm>>
    tpu.wait_indirect_dma semaphore(%arg11 : memref<!tpu.dma_semaphore, #tpu.memory_space<semaphore_mem>>) src(%dma_wait3A_89 : memref<10000x80xf32, #tpu.memory_space<hbm>>) dst(%dma_wait3A_79 : memref<128x80xf32, #tpu.memory_space<vmem>>)
    %run_scoped3A_90 = arith.constant 1 : i32
    %run_scoped3A_91 = arith.constant 159 : i32
    "tpu.region"() ({
      %run_scoped3A_93 = tpu.sem_alloc : memref<!tpu.dma_semaphore, #tpu.memory_space<semaphore_mem>>
      %dma_start3A_94 = arith.constant 0 : i32
      %dma_start3A_95 = arith.constant 0 : i32
      %dma_start3A_96 = tpu.memref_slice %arg8[%run_scoped3A_90, %dma_start3A_94, %dma_start3A_95] : memref<2x128x80xf32, #tpu.memory_space<vmem>> -> memref<1x128x80xf32, #tpu.memory_space<vmem>>
      %dma_start3A_97 = tpu.memref_squeeze %dma_start3A_96 : memref<1x128x80xf32, #tpu.memory_space<vmem>> -> memref<128x80xf32, #tpu.memory_space<vmem>>
      %dma_start3A_98 = arith.constant 0 : i32
      %dma_start3A_99 = tpu.memref_slice %arg7[%run_scoped3A_91, %dma_start3A_98] : memref<160x128xi32, #tpu.memory_space<vmem>> -> memref<1x128xi32, #tpu.memory_space<vmem>>
      %dma_start3A_100 = tpu.memref_squeeze %dma_start3A_99 : memref<1x128xi32, #tpu.memory_space<vmem>> -> memref<128xi32, #tpu.memory_space<vmem>>
      %dma_start3A_101 = arith.constant 0 : i32
      %dma_start3A_102 = arith.constant 0 : i32
      %dma_start3A_103 = tpu.memref_slice %arg9[%dma_start3A_101, %dma_start3A_102] : memref<10112x80xf32, #tpu.memory_space<vmem_shared>> -> memref<10112x80xf32, #tpu.memory_space<vmem_shared>>
      tpu.enqueue_indirect_dma source(%dma_start3A_97 : memref<128x80xf32, #tpu.memory_space<vmem>>) target(%dma_start3A_103 : memref<10112x80xf32, #tpu.memory_space<vmem_shared>>) offsets(%dma_start3A_100 : memref<128xi32, #tpu.memory_space<vmem>>) semaphore(%run_scoped3A_93 : memref<!tpu.dma_semaphore, #tpu.memory_space<semaphore_mem>>) {add = true}
      %dma_wait3A_104 = arith.constant 0 : i32
      %dma_wait3A_105 = arith.constant 0 : i32
      %dma_wait3A_106 = tpu.memref_slice %arg8[%run_scoped3A_90, %dma_wait3A_104, %dma_wait3A_105] : memref<2x128x80xf32, #tpu.memory_space<vmem>> -> memref<1x128x80xf32, #tpu.memory_space<vmem>>
      %dma_wait3A_107 = tpu.memref_squeeze %dma_wait3A_106 : memref<1x128x80xf32, #tpu.memory_space<vmem>> -> memref<128x80xf32, #tpu.memory_space<vmem>>
      %dma_wait3A_108 = arith.constant 0 : i32
      %dma_wait3A_109 = tpu.memref_slice %arg7[%run_scoped3A_91, %dma_wait3A_108] : memref<160x128xi32, #tpu.memory_space<vmem>> -> memref<1x128xi32, #tpu.memory_space<vmem>>
      %dma_wait3A_110 = tpu.memref_squeeze %dma_wait3A_109 : memref<1x128xi32, #tpu.memory_space<vmem>> -> memref<128xi32, #tpu.memory_space<vmem>>
      %dma_wait3A_111 = arith.constant 0 : i32
      %dma_wait3A_112 = arith.constant 0 : i32
      %dma_wait3A_113 = tpu.memref_slice %arg9[%dma_wait3A_111, %dma_wait3A_112] : memref<10112x80xf32, #tpu.memory_space<vmem_shared>> -> memref<10112x80xf32, #tpu.memory_space<vmem_shared>>
      tpu.wait_indirect_dma semaphore(%run_scoped3A_93 : memref<!tpu.dma_semaphore, #tpu.memory_space<semaphore_mem>>) src(%dma_wait3A_107 : memref<128x80xf32, #tpu.memory_space<vmem>>) dst(%dma_wait3A_113 : memref<10112x80xf32, #tpu.memory_space<vmem_shared>>)
      tpu.yield
    }) : () -> ()
    %barrier3A_92 = arith.constant 0 : index
    tpu.barrier barrier_id(%barrier3A_92)
    "tpu.region"() ({
      %run_scoped3A_93 = tpu.sem_alloc : memref<!tpu.dma_semaphore, #tpu.memory_space<semaphore_mem>>
      %dma_start3A_94 = arith.constant 0 : i32
      %dma_start3A_95 = tpu.memref_slice %arg5[%arg0, %mul3A_5, %dma_start3A_94] : memref<2x10112x80xf32, #tpu.memory_space<hbm>> -> memref<1x632x80xf32, #tpu.memory_space<hbm>>
      %dma_start3A_96 = tpu.memref_squeeze %dma_start3A_95 : memref<1x632x80xf32, #tpu.memory_space<hbm>> -> memref<632x80xf32, #tpu.memory_space<hbm>>
      %dma_start3A_97 = arith.constant 0 : i32
      %dma_start3A_98 = tpu.memref_slice %arg9[%mul3A_5, %dma_start3A_97] : memref<10112x80xf32, #tpu.memory_space<vmem_shared>> -> memref<632x80xf32, #tpu.memory_space<vmem_shared>>
      tpu.enqueue_dma source(%dma_start3A_98 : memref<632x80xf32, #tpu.memory_space<vmem_shared>>) target(%dma_start3A_96 : memref<632x80xf32, #tpu.memory_space<hbm>>) target_semaphore(%run_scoped3A_93 : memref<!tpu.dma_semaphore, #tpu.memory_space<semaphore_mem>>)
      %dma_wait3A_99 = arith.constant 0 : i32
      %dma_wait3A_100 = tpu.memref_slice %arg5[%arg0, %mul3A_5, %dma_wait3A_99] : memref<2x10112x80xf32, #tpu.memory_space<hbm>> -> memref<1x632x80xf32, #tpu.memory_space<hbm>>
      %dma_wait3A_101 = tpu.memref_squeeze %dma_wait3A_100 : memref<1x632x80xf32, #tpu.memory_space<hbm>> -> memref<632x80xf32, #tpu.memory_space<hbm>>
      %dma_wait3A_102 = arith.constant 0 : i32
      %dma_wait3A_103 = tpu.memref_slice %arg9[%mul3A_5, %dma_wait3A_102] : memref<10112x80xf32, #tpu.memory_space<vmem_shared>> -> memref<632x80xf32, #tpu.memory_space<vmem_shared>>
      tpu.wait_dma2 semaphore(%run_scoped3A_93 : memref<!tpu.dma_semaphore, #tpu.memory_space<semaphore_mem>>) src(%dma_wait3A_103 : memref<632x80xf32, #tpu.memory_space<vmem_shared>>) dst(%dma_wait3A_101 : memref<632x80xf32, #tpu.memory_space<hbm>>)
      tpu.yield
    }) : () -> ()
    return
  }
}

module attributes {stable_mosaic.version = 14 : i64} {
  func.func @_tc_body(%arg0: memref<10000x128xf32, #tpu.memory_space<vmem>>, %arg1: memref<2x10112x80xf32, #tpu.memory_space<vmem>>, %arg2: memref<128x128xf32, #tpu.memory_space<vmem>>, %arg3: memref<1x128xf32, #tpu.memory_space<vmem>>, %arg4: memref<128x128xf32, #tpu.memory_space<vmem>>, %arg5: memref<1x128xf32, #tpu.memory_space<vmem>>, %arg6: memref<1x128xf32, #tpu.memory_space<vmem>>, %arg7: memref<1x128xf32, #tpu.memory_space<vmem>>, %arg8: memref<10000x128xf32, #tpu.memory_space<vmem>>) attributes {dimension_semantics = [], scalar_prefetch = 0 : i64, scratch_operands = 0 : i64, tpu.core_type = #tpu.core_type<tc>} {
    %get3A = arith.constant 0 : index
    %get3A_0 = arith.constant 0 : index
    %get3A_1 = vector.load %arg0[%get3A, %get3A_0] : memref<10000x128xf32, #tpu.memory_space<vmem>>, vector<10000x128xf32>
    %get3A_2 = arith.constant 0 : index
    %get3A_3 = arith.constant 0 : index
    %get3A_4 = arith.constant 64 : index
    %get3A_5 = vector.load %arg1[%get3A_2, %get3A_3, %get3A_4] : memref<2x10112x80xf32, #tpu.memory_space<vmem>>, vector<1x10000x1xf32>
    %get3A_6 = vector.shape_cast %get3A_5 : vector<1x10000x1xf32> to vector<10000x1xf32>
    %max3A = arith.constant 1.000000e+00 : f32
    %max3A_7 = vector.broadcast %max3A : f32 to vector<10000x1xf32>
    %max3A_8 = arith.maximumf %get3A_6, %max3A_7 : vector<10000x1xf32>
    %div3A = arith.constant 1.000000e+00 : f32
    %div3A_9 = vector.broadcast %div3A : f32 to vector<10000x1xf32>
    %div3A_10 = arith.divf %div3A_9, %max3A_8 : vector<10000x1xf32>
    %get3A_11 = arith.constant 0 : index
    %get3A_12 = arith.constant 0 : index
    %get3A_13 = arith.constant 0 : index
    %get3A_14 = vector.load %arg1[%get3A_11, %get3A_12, %get3A_13] : memref<2x10112x80xf32, #tpu.memory_space<vmem>>, vector<1x10000x64xf32>
    %get3A_15 = vector.shape_cast %get3A_14 : vector<1x10000x64xf32> to vector<10000x64xf32>
    %mul3A = vector.broadcast %div3A_10 : vector<10000x1xf32> to vector<10000x64xf32>
    %mul3A_16 = arith.mulf %get3A_15, %mul3A : vector<10000x64xf32>
    %get3A_17 = arith.constant 1 : index
    %get3A_18 = arith.constant 0 : index
    %get3A_19 = arith.constant 0 : index
    %get3A_20 = vector.load %arg1[%get3A_17, %get3A_18, %get3A_19] : memref<2x10112x80xf32, #tpu.memory_space<vmem>>, vector<1x10000x64xf32>
    %get3A_21 = vector.shape_cast %get3A_20 : vector<1x10000x64xf32> to vector<10000x64xf32>
    %mul3A_22 = vector.broadcast %div3A_10 : vector<10000x1xf32> to vector<10000x64xf32>
    %mul3A_23 = arith.mulf %get3A_21, %mul3A_22 : vector<10000x64xf32>
    %get3A_24 = arith.constant 0 : index
    %get3A_25 = arith.constant 0 : index
    %get3A_26 = vector.load %arg2[%get3A_24, %get3A_25] : memref<128x128xf32, #tpu.memory_space<vmem>>, vector<128x128xf32>
    %slice3A = vector.extract_strided_slice %get3A_26 {offsets = [0, 0], sizes = [64, 128], strides = [1, 1]} : vector<128x128xf32> to vector<64x128xf32>
    %dot_general3A = arith.constant dense<0.000000e+00> : vector<10000x128xf32>
    %dot_general3A_27 = tpu.matmul %mul3A_16, %slice3A, %dot_general3A {dimension_numbers = #tpu.dot_dimension_numbers<[1], [0], [0], [1], [0, 0, 1, 1], [], []>, transpose_lhs_hint = false} : vector<10000x64xf32>, vector<64x128xf32>, vector<10000x128xf32> -> vector<10000x128xf32>
    %add3A = arith.addf %get3A_1, %dot_general3A_27 : vector<10000x128xf32>
    %slice3A_28 = vector.extract_strided_slice %get3A_26 {offsets = [64, 0], sizes = [64, 128], strides = [1, 1]} : vector<128x128xf32> to vector<64x128xf32>
    %dot_general3A_29 = arith.constant dense<0.000000e+00> : vector<10000x128xf32>
    %dot_general3A_30 = tpu.matmul %mul3A_23, %slice3A_28, %dot_general3A_29 {dimension_numbers = #tpu.dot_dimension_numbers<[1], [0], [0], [1], [0, 0, 1, 1], [], []>, transpose_lhs_hint = false} : vector<10000x64xf32>, vector<64x128xf32>, vector<10000x128xf32> -> vector<10000x128xf32>
    %add3A_31 = arith.addf %add3A, %dot_general3A_30 : vector<10000x128xf32>
    %get3A_32 = arith.constant 0 : index
    %get3A_33 = arith.constant 0 : index
    %get3A_34 = vector.load %arg3[%get3A_32, %get3A_33] : memref<1x128xf32, #tpu.memory_space<vmem>>, vector<1x128xf32>
    %add3A_35 = vector.broadcast %get3A_34 : vector<1x128xf32> to vector<10000x128xf32>
    %add3A_36 = arith.addf %add3A_31, %add3A_35 : vector<10000x128xf32>
    %get3A_37 = arith.constant 0 : index
    %get3A_38 = arith.constant 0 : index
    %get3A_39 = vector.load %arg4[%get3A_37, %get3A_38] : memref<128x128xf32, #tpu.memory_space<vmem>>, vector<128x128xf32>
    %dot_general3A_40 = arith.constant dense<0.000000e+00> : vector<10000x128xf32>
    %dot_general3A_41 = tpu.matmul %get3A_1, %get3A_39, %dot_general3A_40 {dimension_numbers = #tpu.dot_dimension_numbers<[1], [0], [0], [1], [0, 0, 1, 1], [], []>, transpose_lhs_hint = false} : vector<10000x128xf32>, vector<128x128xf32>, vector<10000x128xf32> -> vector<10000x128xf32>
    %add3A_42 = arith.addf %add3A_36, %dot_general3A_41 : vector<10000x128xf32>
    %max3A_43 = arith.constant 0.000000e+00 : f32
    %max3A_44 = vector.broadcast %max3A_43 : f32 to vector<10000x128xf32>
    %max3A_45 = arith.maximumf %add3A_42, %max3A_44 : vector<10000x128xf32>
    %reduce_sum3A = arith.constant dense<0.000000e+00> : vector<128xf32>
    %reduce_sum3A_46 = vector.multi_reduction <add>, %max3A_45, %reduce_sum3A [0] : vector<10000x128xf32> to vector<128xf32>
    %broadcast_in_dim3A = vector.shape_cast %reduce_sum3A_46 : vector<128xf32> to vector<1x128xf32>
    %mul3A_47 = arith.mulf %max3A_45, %max3A_45 : vector<10000x128xf32>
    %reduce_sum3A_48 = arith.constant dense<0.000000e+00> : vector<128xf32>
    %reduce_sum3A_49 = vector.multi_reduction <add>, %mul3A_47, %reduce_sum3A_48 [0] : vector<10000x128xf32> to vector<128xf32>
    %broadcast_in_dim3A_50 = vector.shape_cast %reduce_sum3A_49 : vector<128xf32> to vector<1x128xf32>
    %div3A_51 = arith.constant 1.000000e+04 : f32
    %div3A_52 = vector.broadcast %div3A_51 : f32 to vector<1x128xf32>
    %div3A_53 = arith.divf %broadcast_in_dim3A, %div3A_52 : vector<1x128xf32>
    %get3A_54 = arith.constant 0 : index
    %get3A_55 = arith.constant 0 : index
    %get3A_56 = vector.load %arg7[%get3A_54, %get3A_55] : memref<1x128xf32, #tpu.memory_space<vmem>>, vector<1x128xf32>
    %div3A_57 = arith.constant 1.000000e+04 : f32
    %div3A_58 = vector.broadcast %div3A_57 : f32 to vector<1x128xf32>
    %div3A_59 = arith.divf %broadcast_in_dim3A_50, %div3A_58 : vector<1x128xf32>
    %mul3A_60 = arith.mulf %get3A_56, %get3A_56 : vector<1x128xf32>
    %mul3A_61 = arith.constant 2.000000e+00 : f32
    %mul3A_62 = vector.broadcast %mul3A_61 : f32 to vector<1x128xf32>
    %mul3A_63 = arith.mulf %mul3A_62, %get3A_56 : vector<1x128xf32>
    %sub3A = arith.subf %mul3A_60, %mul3A_63 : vector<1x128xf32>
    %mul3A_64 = arith.mulf %sub3A, %div3A_53 : vector<1x128xf32>
    %mul3A_65 = arith.mulf %mul3A_64, %div3A_53 : vector<1x128xf32>
    %add3A_66 = arith.addf %div3A_59, %mul3A_65 : vector<1x128xf32>
    %mul3A_67 = arith.mulf %get3A_56, %div3A_53 : vector<1x128xf32>
    %sub3A_68 = vector.broadcast %mul3A_67 : vector<1x128xf32> to vector<10000x128xf32>
    %sub3A_69 = arith.subf %max3A_45, %sub3A_68 : vector<10000x128xf32>
    %get3A_70 = arith.constant 0 : index
    %get3A_71 = arith.constant 0 : index
    %get3A_72 = vector.load %arg5[%get3A_70, %get3A_71] : memref<1x128xf32, #tpu.memory_space<vmem>>, vector<1x128xf32>
    %add3A_73 = arith.constant 9.99999974E-6 : f32
    %add3A_74 = vector.broadcast %add3A_73 : f32 to vector<1x128xf32>
    %add3A_75 = arith.addf %add3A_66, %add3A_74 : vector<1x128xf32>
    %rsqrt3A = math.rsqrt %add3A_75 : vector<1x128xf32>
    %mul3A_76 = vector.broadcast %rsqrt3A : vector<1x128xf32> to vector<10000x128xf32>
    %mul3A_77 = arith.mulf %sub3A_69, %mul3A_76 : vector<10000x128xf32>
    %mul3A_78 = vector.broadcast %get3A_72 : vector<1x128xf32> to vector<10000x128xf32>
    %mul3A_79 = arith.mulf %mul3A_78, %mul3A_77 : vector<10000x128xf32>
    %get3A_80 = arith.constant 0 : index
    %get3A_81 = arith.constant 0 : index
    %get3A_82 = vector.load %arg6[%get3A_80, %get3A_81] : memref<1x128xf32, #tpu.memory_space<vmem>>, vector<1x128xf32>
    %add3A_83 = vector.broadcast %get3A_82 : vector<1x128xf32> to vector<10000x128xf32>
    %add3A_84 = arith.addf %mul3A_79, %add3A_83 : vector<10000x128xf32>
    %swap3A = arith.constant 0 : index
    %swap3A_85 = arith.constant 0 : index
    %swap3A_86 = vector.load %arg8[%swap3A, %swap3A_85] : memref<10000x128xf32, #tpu.memory_space<vmem>>, vector<10000x128xf32>
    tpu.vector_store %arg8[%swap3A, %swap3A_85], %add3A_84 {strides = array<i32>} : memref<10000x128xf32, #tpu.memory_space<vmem>>, vector<10000x128xf32>,
    return
  }
}

</mosaic_0001>

<sc_bundles>
// kernel: kernel.4.cloned.1.call-start
scs
__scs_entry_jumppad:
0x0: {  	(pc) =	sbr.rel $0x88, $3  }
0x1: {  	(tag) =	ssettag $0x0;
	lr =	simm.s32 $0x1  }
0x2: {  	[smem:$0x3F99] =	sst lr;
	_ =	strace $0xD0000000  }
0x3: {  	_ = 	snop  }
0x4: {  	_ = 	snop  }
0x5: {  	_ = 	snop  }
0x6: {  	_ = 	snop  }
0x7: {  	_ = 	snop  }
__scs_overlays_trampoline_lowered:
0x8: {  	[smem:$0x3FA8] =	sst s0  }
0x9: {  	[smem:$0x3FA9] =	sst s1  }
0xa: {  	[smem:$0x3FAA] =	sst s2  }
0xb: {  	[smem:$0x3FAB] =	sst s3  }
0xc: {  	[smem:$0x3FAC] =	sst s4  }
0xd: {  	[smem:$0x3FAD] =	sst s5  }
0xe: {  	[smem:$0x3FAE] =	sst s6  }
0xf: {  	[smem:$0x3FAF] =	sst s7  }
0x10: {  	[smem:$0x3FB0] =	sst s8  }
0x11: {  	[smem:$0x3FB1] =	sst s9;
	s0 =	simm.s32 @!p0 $0x0  }
0x12: {  	s1 =	sld [smem:$0x3F97];
	s0 =	simm.s32 @p0 $0x1  }
0x13: {  	[smem:$0x3FB2] =	sst s0;
	s0 =	simm.s32 @!p1 $0x0  }
0x14: {  	s2 =	sld [smem:$0x3F96];
	s0 =	simm.s32 @p1 $0x1  }
0x15: {  	[smem:$0x3FB3] =	sst s0;
	s0 =	simm.s32 @!p2 $0x0  }
0x16: {  	s3 =	sld [smem:$0x3FDB];
	s0 =	simm.s32 @p2 $0x1  }
0x17: {  	s4 =	simm.s32 $0x1BF5;
	[smem:$0x3FB5] =	sst s0  }
0x18: {  	s0 =	sld [smem:$0x3F98];
	_ =	swait.ge [sflag:s4], $0x0  }
0x19: {  	s7 =	sld [smem:$0x3F99]  }
0x1a: {  	s8 =	sadd.s32 $0xFFFFE003, lr  }
0x1b: {  	s9 =	sadd.s32 $0xFFFFFEF7, lr;
	s5 =	simm.s32 $0xFFFFFFFF;
	p2 =	slt.u32 s8, $0xFFFFF086  }
0x1c: {  	p1 =	slt.u32 s9, $0xF7A;
	s5 =	simm.s32 @!p2 $0x0  }
0x1d: {  	s5 =	simm.s32 @p1 $0x1;
	p0 =	seq.s32 s7, s2  }
0x1e: {  	s7 =	smul.u32 @!p0 $0xF7A, s2;
	p2 =	seq.s32 @!p0 s5, $0x0  }
0x1f: {  	s9 =	smul.u32 $0xF7A, s1;
	s8 =	simm.s32 @!p0 $0x1BF5;
	p2 =	por !p2, p0  }
0x20: {  	[sflag:s8] =	ssyncset.s32 @!p0 $0xFFFFF086;
	s6 =	sadd.s32 @!p0 s3, s7;
	s7 =	simm.s32 @!p0 $0x108  }
0x21: {  	s3 =	sadd.s32 s3, s9;
	s6 =	sadd.s32 @!p0 $0x88, s6;
	s7 =	simm.s32 @p2 $0x1082  }
0x22: {  	[simem:s7], [sflag:s8] =	dma.local @!p0 [hbm:s6], $0xF7A  }
0x23: {  	s9 =	sor.u32 $0xD0000000, s2;
	s6 =	simm.s32 $0x108;
	_ =	swait.ge @!p0 [sflag:s8], $0x0  }
0x24: {  	s3 =	sadd.s32 $0x88, s3;
	s6 =	simm.s32 @!p1 $0x1082;
	[sflag:s4] =	ssyncset.s32 $0xFFFFF086  }
0x25: {  	[simem:s6], [sflag:s4] =	dma.local [hbm:s3], $0xF7A  }
0x26: {  	[smem:$0x3F99] =	sst s1;
	(tag) =	ssettag s2;
	_ =	strace s9  }
0x27: {  	s1 =	sld [smem:$0x3FA9]  }
0x28: {  	s2 =	sld [smem:$0x3FAA]  }
0x29: {  	s4 =	sld [smem:$0x3FAC]  }
0x2a: {  	p0 =	seq.s32 s5, $0x0;
	s5 =	sld [smem:$0x3FAD]  }
0x2b: {  	s6 =	sld [smem:$0x3FAE]  }
0x2c: {  	s7 =	sld [smem:$0x3FAF]  }
0x2d: {  	s3 =	simm.s32 $0x108;
	s8 =	sld [smem:$0x3FB0]  }
0x2e: {  	s3 =	simm.s32 @!p0 $0x1082;
	s9 =	sld [smem:$0x3FB1]  }
0x2f: {  	lr =	sadd.s32 s0, s3;
	s0 =	sld [smem:$0x3FA8]  }
0x30: {  	s3 =	sld [smem:$0x3FAB]  }
0x31: {  	[smem:$0x3FB4] =	sst s10  }
0x32: {  	s10 =	sld [smem:$0x3FB2];
	_ =	sdelay $0x3  }
0x33: {  	p0 =	seq.s32 s10, $0x1;
	s10 =	sld [smem:$0x3FB4];
	_ =	sdelay $0x3  }
0x34: {  	[smem:$0x3FB4] =	sst s10  }
0x35: {  	s10 =	sld [smem:$0x3FB3];
	_ =	sdelay $0x3  }
0x36: {  	p1 =	seq.s32 s10, $0x1;
	s10 =	sld [smem:$0x3FB4];
	_ =	sdelay $0x3  }
0x37: {  	[smem:$0x3FB4] =	sst s10  }
0x38: {  	s10 =	sld [smem:$0x3FB5]  }
0x39: {  	_ = 	snop;
	(pc) =	sbr.ind lr, $3  }
0x3a: {  	_ = 	snop  }
0x3b: {  	_ = 	snop  }
0x3c: {  	p2 =	seq.s32 s10, $0x1;
	s10 =	sld [smem:$0x3FB4]  }
0x3d: {  	_ =	shalt  }
0x3e: {  	_ =	shalt  }
0x3f: {  	_ =	shalt  }
0x40: {  	_ =	shalt  }
0x41: {  	_ =	shalt  }
0x42: {  	_ =	shalt  }
0x43: {  	_ =	shalt  }
0x44: {  	_ =	shalt  }
0x45: {  	_ =	shalt  }
0x46: {  	_ =	shalt  }
0x47: {  	_ =	shalt  }
0x48: {  	_ =	shalt  }
0x49: {  	_ =	shalt  }
0x4a: {  	_ =	shalt  }
0x4b: {  	_ =	shalt  }
0x4c: {  	_ =	shalt  }
0x4d: {  	_ =	shalt  }
0x4e: {  	_ =	shalt  }
0x4f: {  	_ =	shalt  }
0x50: {  	_ =	shalt  }
0x51: {  	_ =	shalt  }
0x52: {  	_ =	shalt  }
0x53: {  	_ =	shalt  }
0x54: {  	_ =	shalt  }
0x55: {  	_ =	shalt  }
0x56: {  	_ =	shalt  }
0x57: {  	_ =	shalt  }
0x58: {  	_ =	shalt  }
0x59: {  	_ =	shalt  }
0x5a: {  	_ =	shalt  }
0x5b: {  	_ =	shalt  }
0x5c: {  	_ =	shalt  }
0x5d: {  	_ =	shalt  }
0x5e: {  	_ =	shalt  }
0x5f: {  	_ =	shalt  }
0x60: {  	_ =	shalt  }
0x61: {  	_ =	shalt  }
0x62: {  	_ =	shalt  }
0x63: {  	_ =	shalt  }
0x64: {  	_ =	shalt  }
0x65: {  	_ =	shalt  }
0x66: {  	_ =	shalt  }
0x67: {  	_ =	shalt  }
0x68: {  	_ =	shalt  }
0x69: {  	_ =	shalt  }
0x6a: {  	_ =	shalt  }
0x6b: {  	_ =	shalt  }
0x6c: {  	_ =	shalt  }
0x6d: {  	_ =	shalt  }
0x6e: {  	_ =	shalt  }
0x6f: {  	_ =	shalt  }
0x70: {  	_ =	shalt  }
0x71: {  	_ =	shalt  }
0x72: {  	_ =	shalt  }
0x73: {  	_ =	shalt  }
0x74: {  	_ =	shalt  }
0x75: {  	_ =	shalt  }
0x76: {  	_ =	shalt  }
0x77: {  	_ =	shalt  }
0x78: {  	_ =	shalt  }
0x79: {  	_ =	shalt  }
0x7a: {  	_ =	shalt  }
0x7b: {  	_ =	shalt  }
0x7c: {  	_ =	shalt  }
0x7d: {  	_ =	shalt  }
0x7e: {  	_ =	shalt  }
0x7f: {  	_ =	shalt  }
0x80: {  	_ =	shalt  }
0x81: {  	_ =	shalt  }
0x82: {  	_ =	shalt  }
0x83: {  	_ =	shalt  }
0x84: {  	_ =	shalt  }
0x85: {  	_ =	shalt  }
0x86: {  	_ =	shalt  }
0x87: {  	_ =	shalt  }
.Lfunc_end0:
.L_simem_size_0:
called_computation_lowered:
.L_overlay_start_0:
0x88: {  	s2 =	sld [smem:$0x3FD9]  }
0x89: {  	s3 =	sld [smem:$0x3FFE];
	_ =	sdelay $0x1  }
0x8a: {  	s1 =	srdreg.scid  }
0x8b: {  	s0 =	sand.u32 $0x1, s1  }
0x8c: {  	s17 =	sshll.u32 s0, $0xA;
	s2 =	sadd.s32 s3, s2  }
0x8d: {  	s2 =	sadd.s32 s2, s17  }
0x8e: {  	[smem:$0x3FC0] =	sst s2  }
0x8f: {  	_ = 	snop  }
0x90: {  	s2 =	sld [smem:$0x3FD0];
	(tm) =	ssettm $0x1  }
0x91: {  	s18 =	sld [smem:$0x3FFB];
	_ =	sdelay $0x3  }
0x92: {  	_ =	strace s18  }
0x93: {  	s3 =	sld [smem:$0x3FFC];
	_ =	sdelay $0x3  }
0x94: {  	_ =	strace s3  }
0x95: {  	s3 =	sld [smem:$0x3FFD];
	_ =	sdelay $0x3  }
0x96: {  	_ =	strace s3  }
0x97: {  	_ =	strace $0x8FFFFFFF  }
0x98: {  	s19 =	sld [smem:$0x3FDB];
	_ =	sdelay $0x1  }
0x99: {  	s4 =	simm.s32 $_scs_section_size  }
0x9a: {  	s5 =	simm.s32 $_size__tile_overlayer_lowered;
	s6 =	simm.s32 $_tile_overlayer_lowered  }
0x9b: {  	s22 =	simm.s32 $0x1BFF;
	s21 =	sshll.u32 s6, $0x1;
	s3 =	sadd.s32 s4, s19  }
0x9c: {  	s7 =	simm.s32 $0x0;
	s20 =	sshll.u32 s5, $0x1;
	s5 =	sadd.s32 s21, s3  }
0x9d: {  	[timem:s7], [sflag:s22] =	dma.local [hbm:s5], s20  }
0x9e: {  	_ =	swait.ge [sflag:s22], s20  }
0x9f: {  	s4 =	ssub.s32 $0x0, s20;
	[sflag:s22] =	ssyncset.done $0x0  }
0xa0: {  	[sflag:s22] =	ssyncadd.s32 s4;
	_ =	sdelay $0x1  }
0xa1: {  	s23 =	simm.s32 $0x1B8B  }
0xa2: {  	_ =	swait.ge [sflag:s23], $0x1  }
0xa3: {  	[sflag:s23] =	ssyncset.done $0x0  }
0xa4: {  	s25 =	simm.s32 $0x1B8E;
	s24 =	sld [smem:$0x3FFE];
	[sflag:s23] =	ssyncadd.s32 $0xFFFFFFFF  }
0xa5: {  	s26 =	simm.s32 $execute0_lowered;
	[smem:$0x3FD2] =	sst s25  }
0xa6: {  	s5 =	sshll.u32 s26, $0x1;
	_ =	strace $0x80000046;
	[dreg:$0x1] =	wrdreg $0xFFFFFFFF  }
0xa7: {  	s28 =	simm.s32 $_size_execute0_lowered;
	s3 =	sadd.s32 s3, s5;
	[dreg:$0x0] =	wrdreg $0x0  }
0xa8: {  	s5 =	sshll.u32 s28, $0x1;
	[dreg:$0x2] =	wrdreg s3  }
0xa9: {  	[dreg:$0x3] =	wrdreg s5  }
0xaa: {  	[dreg:$0x4] =	wrdreg $0xC0  }
0xab: {  	_ =	task [dreg:s7], $0x5FFFF  }
0xac: {  	[dreg:$0x1] =	wrdreg $0xFFFFFFFF  }
0xad: {  	[dreg:$0x0] =	wrdreg $0x60  }
0xae: {  	[dreg:$0x2] =	wrdreg s24  }
0xaf: {  	[dreg:$0x3] =	wrdreg s2  }
0xb0: {  	[dreg:$0x4] =	wrdreg $0xF0000  }
0xb1: {  	[dreg:$0x5] =	wrdreg $0x9  }
0xb2: {  	_ =	task.clear_ibuf [dreg:s7], $0x6FFFF;
	_ =	strace $0x90000046  }
0xb3: {  	s29 =	simm.s32 $0x9;
	_ =	strace $0x80000048  }
0xb4: {  	_ =	swait.ge [sflag:s29], $0x1  }
0xb5: {  	[sflag:s29] =	ssyncadd.s32 $0xFFFFFFFF  }
0xb6: {  	_ =	strace $0x90000048  }
0xb7: {  	_ =	sfence  }
0xb8: {  	s30 =	sld [smem:$0x0];
	_ =	sdelay $0x2  }
0xb9: {  	s31 =	sshll.u32 s1, $0xD;
	s1 =	sshrl.u32 s1, $0x2  }
0xba: {  	s3 =	sand.u32 $0x4000, s31;
	s1 =	sadd.s32 s1, s30  }
0xbb: {  	s0 =	sor.u32 s3, s0;
	s1 =	sshll.u32 s1, $0x11  }
0xbc: {  	s0 =	sor.u32 s1, s0  }
0xbd: {  	s0 =	sadd.s32 $0x8F2B, s0  }
0xbe: {  	[sflag:s0] =	ssyncadd.remote.s32 $0x1  }
0xbf: {  	_ =	sfence.sel $0xFFFF  }
0xc0: {  	[dreg:$0x0] =	wrdreg $0xFFFFFFFF;
	(pc) =	sbr.abs _section_cstart, $3  }
0xc1: {  	[dreg:$0x1] =	wrdreg $0xFFFFFFFF  }
0xc2: {  	_ =	task.clear_ibuf [dreg:s7], $0x2FFFF;
	_ =	strace $0x9FFFFFFF  }
0xc3: {  	(tm) =	ssettm $0x7FFFFFFF  }
tec
execute0_lowered:
.L_overlay_start_1:
0x0: {  	(tag) =	ssettag $0x1  }
0x1: {  	s4 =	rddreg [dreg:$0x0]  }
0x2: {  	s9 =	rddreg [dreg:$0x1];
	s0 =	srdreg.scid  }
0x3: {  	s2 =	rddreg [dreg:$0x2];
	s1 =	stileid.u32  }
0x4: {  	s3 =	simm.s32 $0x0;
	s15 =	simm.s32 $0x3;
	s16 =	simm.s32 $0x5000  }
0x5: {  	s17 =	simm.s32 $0x80;
	s18 =	simm.s32 $0xC800;
	s7 =	smul.u32 $0xC580, s1  }
0x6: {  	s19 =	simm.s32 $0x1;
	s20 =	simm.s32 $0x2;
	s10 =	smul.u32 $0xA00, s1  }
0x7: {  	s21 =	simm.s32 $0x9F00;
	s5 =	sand.u32 $0x1, s0;
	s29 =	smul.u32 $0x31600, s1  }
0x8: {  	s22 =	simm.s32 $0x9F80;
	s0 =	rddreg [dreg:$0x3];
	s6 =	smul.u32 $0x186A0, s5  }
0x9: {  	[smem:$0x7FF] =	sst s3;
	s8 =	smul.u32 $0xC5800, s5;
	s5 =	ssub.s32 $0x2, s5  }
0xa: {  	_ =	strace $0x80000047;
	s12 =	sadd.s32 s10, s4;
	s30 =	sshrl.u32 s5, $0x1  }
0xb: {  	s31 =	sshrl.u32 s29, $0x2;
	s9 =	sadd.s32 s9, s10;
	s11 =	sadd.s32 s6, s4  }
0xc: {  	s28 =	sadd.s32 s7, s8;
	s14 =	ssub.s32 s5, s30;
	s8 =	sadd.s32 s31, s2  }
0xd: {  	s10 =	sadd.s32 $0x31E00, s12;
	s6 =	sshrl.u32 s28, $0x3;
	s5 =	sadd.s32 $0x2800, s8  }
0xe: {  	s11 =	sadd.s32 $0x1000, s11;
	s13 =	sadd.s32 s6, s4;
	s4 =	sadd.s32 s7, s2  }
0xf: {  	s6 =	sadd.s32 $0x5000, s8;
	s7 =	sadd.s32 $0x7800, s8;
	s8 =	sadd.s32 $0xA000, s8  }
0x10: {  	v0 =	vimm.f32 $0.0e+00;
	s12 =	sadd.s32 $0x3BE00, s13;
	s13 =	smax.u32 s14, $0x1;
	s14 =	simm.s32 $0xA000  }
.LBB2_1:
0x11: {  	s24 =	simm.s32 $0x140;
	s23 =	simm.s32 $0x0  }
.LBB2_2:
0x12: {  	p0 =	sne.s32 s24, $0x9EC0;
	[tilespmem:s23+$0xA040] =	vst v0;
	s25 =	smov.u32 s24;
	s24 =	sadd.s32 $0x140, s24  }
.Ltmp0:
0x13: {  	[tilespmem:s23+$0xA030] =	vst v0;
	(pc) =	sbr.rel @p0 .LBB2_2-.Ltmp0, $4  }
0x14: {  	[tilespmem:s23+$0xA020] =	vst v0  }
0x15: {  	[tilespmem:s23+$0xA000] =	vst v0  }
0x16: {  	[tilespmem:s23+$0xA010] =	vst v0  }
0x17: {  	s23 =	sshra.s32 s25, $0x2  }
0x18: {  	[tilespmem:s23+$0xA040] =	vst v0  }
0x19: {  	[tilespmem:s23+$0xA030] =	vst v0  }
0x1a: {  	[tilespmem:s23+$0xA020] =	vst v0  }
0x1b: {  	[tilespmem:s23+$0xA000] =	vst v0  }
0x1c: {  	[tilespmem:s23+$0xA010] =	vst v0  }
0x1d: {  	[spmem:s4] =	stream.linear.scatter [tilespmem:s14], [sflag:$0x3], $0x2800, $0x38;
	[tilespmem:$0x1B580] =	vst v63  }
0x1e: {  	_ =	swait.ge [sflag:s15], $0x2800  }
0x1f: {  	[sflag:s15] =	ssyncset.done $0x0  }
0x20: {  	[sflag:s15] =	ssyncadd.s32 $0xFFFFD800  }
0x21: {  	[spmem:s5] =	stream.linear.scatter [tilespmem:s14], [sflag:$0x3], $0x2800, $0x38;
	[tilespmem:$0x1B580] =	vst v63  }
0x22: {  	_ =	swait.ge [sflag:s15], $0x2800  }
0x23: {  	[sflag:s15] =	ssyncset.done $0x0  }
0x24: {  	[sflag:s15] =	ssyncadd.s32 $0xFFFFD800  }
0x25: {  	[spmem:s6] =	stream.linear.scatter [tilespmem:s14], [sflag:$0x3], $0x2800, $0x38;
	[tilespmem:$0x1B580] =	vst v63  }
0x26: {  	_ =	swait.ge [sflag:s15], $0x2800  }
0x27: {  	[sflag:s15] =	ssyncset.done $0x0  }
0x28: {  	[sflag:s15] =	ssyncadd.s32 $0xFFFFD800  }
0x29: {  	[spmem:s7] =	stream.linear.scatter [tilespmem:s14], [sflag:$0x3], $0x2800, $0x38;
	[tilespmem:$0x1B580] =	vst v63  }
0x2a: {  	_ =	swait.ge [sflag:s15], $0x2800  }
0x2b: {  	[sflag:s15] =	ssyncset.done $0x0  }
0x2c: {  	[sflag:s15] =	ssyncadd.s32 $0xFFFFD800  }
0x2d: {  	[spmem:s8] =	stream.linear.scatter [tilespmem:s14], [sflag:$0x3], $0x2580, $0x38;
	[tilespmem:$0x1B580] =	vst v63  }
0x2e: {  	_ =	swait.ge [sflag:s15], $0x2580  }
0x2f: {  	[sflag:s15] =	ssyncset.done $0x0  }
0x30: {  	[sflag:s15] =	ssyncadd.s32 $0xFFFFDA80  }
0x31: {  	s26 =	simm.s32 $0x0;
	[bflag:$0x0] =	sbarrier.arrive $0xFFFF  }
0x32: {  	[tilespmem:s26], [sflag:$0x3] =	stream.linear.gather [hbm4b:s9+s26], $0x5000, $0x38;
	[tilespmem:$0x1B580] =	vst v63  }
0x33: {  	_ =	swait.ge [sflag:s15], $0x5000  }
0x34: {  	[sflag:s15] =	ssyncset.done $0x0  }
0x35: {  	[sflag:s15] =	ssyncadd.s32 $0xFFFFB000  }
0x36: {  	[tilespmem:s16], [sflag:$0x3] =	stream.linear.gather [hbm4b:s10+s26], $0x5000, $0x38;
	[tilespmem:$0x1B580] =	vst v63  }
0x37: {  	_ =	swait.ge [sflag:s15], $0x5000  }
0x38: {  	[sflag:s15] =	ssyncset.done $0x0  }
0x39: {  	[sflag:s15] =	ssyncadd.s32 $0xFFFFB000  }
0x3a: {  	[tilespmem:s14], [sflag:$0x1] =	stream.indirect.gather [hbm4b:s11+s17], $0x50, s26, s17, $0xb8;
	[tilespmem:$0x1B580] =	vst v63  }
0x3b: {  	_ = 	snop  }
0x3c: {  	[tilespmem:s18], [sflag:$0x2] =	stream.indirect.gather [hbm4b:s11+s17], $0x50, s17, s17, $0xb8;
	[tilespmem:$0x1B580] =	vst v63  }
0x3d: {  	_ =	swait.ge [sflag:s19], $0x2800  }
0x3e: {  	[sflag:s19] =	ssyncset.done $0x0  }
0x3f: {  	s28 =	simm.s32 $0x100;
	[sflag:s19] =	ssyncadd.s32 $0xFFFFD800  }
0x40: {  	[tilespmem:s14], [sflag:$0x1] =	stream.indirect.gather [hbm4b:s11+s17], $0x50, s28, s17, $0xb8;
	[tilespmem:$0x1B580] =	vst v63  }
0x41: {  	s29 =	simm.s32 $0x5000  }
0x42: {  	[spmem:s2] =	stream.indirect.scatter.add.f32 [tilespmem:s14], [sflag:$0x3], $0x50, s29, s17, $0xb8;
	[tilespmem:$0x1B580] =	vst v63  }
0x43: {  	_ =	swait.ge [sflag:s15], $0x2800  }
0x44: {  	[sflag:s15] =	ssyncset.done $0x0  }
0x45: {  	[sflag:s15] =	ssyncadd.s32 $0xFFFFD800  }
0x46: {  	_ =	swait.ge [sflag:s20], $0x2800  }
0x47: {  	[sflag:s20] =	ssyncset.done $0x0  }
0x48: {  	s30 =	simm.s32 $0x180;
	[sflag:s20] =	ssyncadd.s32 $0xFFFFD800  }
0x49: {  	[tilespmem:s18], [sflag:$0x2] =	stream.indirect.gather [hbm4b:s11+s17], $0x50, s30, s17, $0xb8;
	[tilespmem:$0x1B580] =	vst v63  }
0x4a: {  	s31 =	simm.s32 $0x5080  }
0x4b: {  	[spmem:s2] =	stream.indirect.scatter.add.f32 [tilespmem:s18], [sflag:$0x3], $0x50, s31, s17, $0xb8;
	[tilespmem:$0x1B580] =	vst v63  }
0x4c: {  	_ =	swait.ge [sflag:s15], $0x2800  }
0x4d: {  	s23 =	simm.s32 $0x400;
	[sflag:s15] =	ssyncset.done $0x0  }
.LBB2_4:
0x4e: {  	p0 =	sne.s32 s23, $0x13800  }
0x4f: {  	[sflag:s15] =	ssyncadd.s32 $0xFFFFD800;
	s24 =	smov.u32 s23;
	s23 =	sadd.s32 $0x400, s23  }
0x50: {  	_ = 	snop  }
0x51: {  	_ =	swait.ge [sflag:s19], $0x2800  }
0x52: {  	s24 =	sshra.s32 s24, $0x2;
	[sflag:s19] =	ssyncset.done $0x0  }
0x53: {  	s25 =	sadd.s32 $0x100, s24;
	[sflag:s19] =	ssyncadd.s32 $0xFFFFD800  }
0x54: {  	[tilespmem:s14], [sflag:$0x1] =	stream.indirect.gather [hbm4b:s11+s17], $0x50, s25, s17, $0xb8;
	[tilespmem:$0x1B580] =	vst v63  }
0x55: {  	s25 =	sadd.s32 $0x5000, s24  }
0x56: {  	[spmem:s2] =	stream.indirect.scatter.add.f32 [tilespmem:s14], [sflag:$0x3], $0x50, s25, s17, $0xb8;
	[tilespmem:$0x1B580] =	vst v63  }
0x57: {  	_ =	swait.ge [sflag:s15], $0x2800  }
0x58: {  	[sflag:s15] =	ssyncset.done $0x0  }
0x59: {  	[sflag:s15] =	ssyncadd.s32 $0xFFFFD800  }
0x5a: {  	_ =	swait.ge [sflag:s20], $0x2800  }
0x5b: {  	[sflag:s20] =	ssyncset.done $0x0  }
0x5c: {  	s25 =	sadd.s32 $0x180, s24;
	[sflag:s20] =	ssyncadd.s32 $0xFFFFD800  }
0x5d: {  	[tilespmem:s18], [sflag:$0x2] =	stream.indirect.gather [hbm4b:s11+s17], $0x50, s25, s17, $0xb8;
	[tilespmem:$0x1B580] =	vst v63  }
.Ltmp1:
0x5e: {  	_ = 	snop;
	(pc) =	sbr.rel @p0 .LBB2_4-.Ltmp1, $4  }
0x5f: {  	s24 =	sadd.s32 $0x5080, s24  }
0x60: {  	[spmem:s2] =	stream.indirect.scatter.add.f32 [tilespmem:s18], [sflag:$0x3], $0x50, s24, s17, $0xb8;
	[tilespmem:$0x1B580] =	vst v63  }
0x61: {  	_ =	swait.ge [sflag:s15], $0x2800  }
0x62: {  	[sflag:s15] =	ssyncset.done $0x0  }
0x63: {  	[sflag:s15] =	ssyncadd.s32 $0xFFFFD800  }
0x64: {  	_ =	swait.ge [sflag:s19], $0x2800  }
0x65: {  	[sflag:s19] =	ssyncset.done $0x0  }
0x66: {  	[sflag:s19] =	ssyncadd.s32 $0xFFFFD800  }
0x67: {  	[spmem:s2] =	stream.indirect.scatter.add.f32 [tilespmem:s14], [sflag:$0x3], $0x50, s21, s17, $0xb8;
	[tilespmem:$0x1B580] =	vst v63  }
0x68: {  	_ =	swait.ge [sflag:s15], $0x2800  }
0x69: {  	[sflag:s15] =	ssyncset.done $0x0  }
0x6a: {  	[sflag:s15] =	ssyncadd.s32 $0xFFFFD800  }
0x6b: {  	_ =	swait.ge [sflag:s20], $0x2800  }
0x6c: {  	[sflag:s20] =	ssyncset.done $0x0  }
0x6d: {  	[sflag:s20] =	ssyncadd.s32 $0xFFFFD800  }
0x6e: {  	[spmem:s2] =	stream.indirect.scatter.add.f32 [tilespmem:s18], [sflag:$0x3], $0x50, s22, s17, $0xb8;
	[tilespmem:$0x1B580] =	vst v63  }
0x6f: {  	_ =	swait.ge [sflag:s15], $0x2800  }
0x70: {  	s23 =	sshll.u32 s1, $0x6;
	s3 =	sadd.s32 $0x1, s3;
	[sflag:s15] =	ssyncset.done $0x0  }
0x71: {  	s24 =	sshrl.u32 s4, $0x3;
	p0 =	sne.s32 s3, s13;
	[sflag:s15] =	ssyncadd.s32 $0xFFFFD800  }
.Ltmp2:
0x72: {  	s23 =	sor.u32 $0x1C03, s23;
	[bflag:$0x0] =	sbarrier.arrive $0xFFFF;
	(pc) =	sbr.rel @p0 .LBB2_1-.Ltmp2, $4  }
0x73: {  	[hbm:s12], [sflag:s23] =	dma.local [spmem:s24], $0x18B0  }
0x74: {  	_ =	swait.ge [sflag:s15], $0x18B0  }
0x75: {  	[sflag:s15] =	ssyncset.done $0x0  }
0x76: {  	[sflag:s15] =	ssyncadd.s32 $0xFFFFE750  }
0x77: {  	_ =	sfence.sel $0x180000  }
0x78: {  	[bflag:$0x0] =	sbarrier.arrive $0xFFFF  }
0x79: {  	p0 =	sne.s32 s1, $0x0;
	_ =	strace $0x90000047  }
0x7a: {  	s0 =	sadd.s32 @!p0 $0x100000, s0;
	[bflag:$0x2] =	sbarrier.arrive $0xFFFF  }
0x7b: {  	[sflag:s0] =	ssyncadd.tile.s32 @!p0 $0x1;
	_ =	shalt  }
.Lfunc_end2:
_tile_overlayer_lowered:
.L_overlay_start_2:
0x7c: {  	(tag) =	ssettag $0x2  }
0x7d: {  	s0 =	rddreg [dreg:$0x0];
	s2 =	stileid.u32  }
0x7e: {  	s1 =	rddreg [dreg:$0x1];
	p0 =	sne.s32 s2, $0x0  }
0x7f: {  	s3 =	rddreg [dreg:$0x2];
	[bflag:$0x3] =	sbarrier.arrive $0xFFFF;
	s2 =	simm.s32 @!p0 $0x1C03  }
0x80: {  	[timem:s3], [sflag:s2] =	dma.local @!p0 [hbm:s0], s1  }
0x81: {  	s0 =	simm.s32 @!p0 $0x3  }
0x82: {  	_ =	swait.ge @!p0 [sflag:s0], s1  }
0x83: {  	s1 =	ssub.s32 @!p0 $0x0, s1;
	[sflag:s0] =	ssyncset.done @!p0 $0x0  }
0x84: {  	[sflag:s0] =	ssyncadd.s32 @!p0 s1  }
0x85: {  	[bflag:$0x3] =	sbarrier.arrive $0xFFFF  }
0x86: {  	_ =	shalt  }

</sc_bundles>
